<compile_context>
chip_gen: v7x
topology: tpu7x:2x2x1
jax: 0.10.2.dev20260603
libtpu: 0.0.44.dev20260713+nightly
codegen_flags: <defaults>
</compile_context>

<pallas_src>
import functools
import jax
import jax.numpy as jnp
from jax import lax
from jax.experimental import pallas as pl
from jax.experimental.pallas import tpu as pltpu
from jax.experimental.pallas import tpu_sc as plsc

_L = 16
_C = 80
_NB = 5


@functools.lru_cache(maxsize=None)
def _build(B, V, D, dtype_name):
    info = plsc.get_sparse_core_info()
    NC, NS = info.num_cores, info.num_subcores
    NW = NC * NS
    C, NB = _C, _NB
    assert B % (NW * C) == 0
    G = B // (NW * C)
    assert G % NB == 0
    T = G // NB
    b_per_w = B // NW
    dtype = jnp.dtype(dtype_name)

    mesh = plsc.VectorSubcoreMesh(core_axis_name="c", subcore_axis_name="s")

    @functools.partial(
        pl.kernel,
        mesh=mesh,
        out_type=jax.ShapeDtypeStruct((B, D), dtype),
        scratch_types=(
            [pltpu.VMEM((G * C,), jnp.int32)]
            + [pltpu.VMEM((C, D), dtype) for _ in range(2 * NB)]
            + [pltpu.VMEM((_L,), dtype)]
            + [pltpu.SemaphoreType.DMA for _ in range(2 * NB)]
        ),
    )
    def emb_kernel(idx_hbm, table_hbm, scale_hbm, out_hbm, idx_v, *rest):
        in_bufs = rest[0:NB]
        out_bufs = rest[NB:2 * NB]
        scl_v = rest[2 * NB]
        gi = rest[2 * NB + 1:2 * NB + 1 + NB]
        go = rest[2 * NB + 1 + NB:2 * NB + 1 + 2 * NB]

        wid = lax.axis_index("s") * NC + lax.axis_index("c")
        base = wid * b_per_w
        scl_cp = pltpu.async_copy(scale_hbm, scl_v, go[0])
        idx_cp = pltpu.async_copy(idx_hbm.at[pl.ds(base, b_per_w)], idx_v, gi[0])
        idx_cp.wait()

        def gather_start(g, buf, sem):
            pltpu.async_copy(table_hbm.at[idx_v.at[pl.ds(g * C, C)]], buf, sem)

        def gather_wait(buf, sem):
            pltpu.make_async_copy(table_hbm.at[pl.ds(0, C)], buf, sem).wait()

        def out_start(g, buf, sem):
            pltpu.async_copy(buf, out_hbm.at[pl.ds(base + g * C, C)], sem)

        def out_wait(buf, sem):
            pltpu.make_async_copy(buf, out_hbm.at[pl.ds(0, C)], sem).wait()

        def scale(src, dst):
            @plsc.parallel_loop(0, C, step=1, unroll=4)
            def _row(r):
                for j in range(D // _L):
                    sl = pl.ds(j * _L, _L)
                    dst[r, sl] = src[r, sl] * s

        for k in range(NB):
            gather_start(k, in_bufs[k], gi[k])
        scl_cp.wait()
        s = scl_v[...]

        def body(t, carry):
            for k in range(NB):
                g = NB * t + k
                gather_wait(in_bufs[k], gi[k])

                @pl.when(t > 0)
                def _():
                    out_wait(out_bufs[k], go[k])

                scale(in_bufs[k], out_bufs[k])
                out_start(g, out_bufs[k], go[k])

                @pl.when(t + 1 < T)
                def _():
                    gather_start(g + NB, in_bufs[k], gi[k])

            return carry

        lax.fori_loop(0, T, body, 0)
        for k in range(NB):
            out_wait(out_bufs[k], go[k])

    return emb_kernel, NW, C, G


def kernel(x, table, scale):
    Bt, S = x.shape
    V, D = table.shape
    B = Bt * S
    emb_kernel, NW, C, G = _build(B, V, D, table.dtype.name)
    idx_flat = x.reshape(B)
    scale_v = jnp.full((_L,), scale, dtype=table.dtype)
    out = emb_kernel(idx_flat, table, scale_v)
    return out.reshape(Bt, S, D)

# --- scband reference (transcript-rebuilt; emitter-appended) ---
"""Pipeline reference for scband-embedding-11433202942756 (READ-ONLY COPY).

The authoritative reference and input builder live on the scoring server;
editing this copy changes nothing except your own understanding.
"""

import jax, jax.numpy as jnp
import numpy as np
import math

VOCAB = 100000
D_MODEL = 128
PAD_IDX = 0

def setup_inputs(seed: int = 0) -> dict:
    key = jax.random.key(seed)
    k1, k2 = jax.random.split(key)
    x = jax.random.randint(k1, (1024, 200), 0, VOCAB, dtype=jnp.int64 if jax.config.jax_enable_x64 else jnp.int32).astype(jnp.int32)
    table = jax.random.normal(k2, (VOCAB, D_MODEL), dtype=jnp.float32)
    # padding_idx row is zeroed at init (torch nn.Embedding semantics)
    table = table.at[PAD_IDX].set(0.0)
    scale = jnp.asarray(math.sqrt(D_MODEL), dtype=jnp.float32)
    return {"x": x, "table": table, "scale": scale}

def reference(x, table, scale):
    # embed lookup (gather) -> scale; dropout p=0.0 is identity (eval)
    emb = jnp.take(table, x, axis=0)
    return emb * scale

if __name__ == "__main__":
    import jax
    _d = setup_inputs()
    print(jax.jit(kernel)(*tuple(_d.values())))

</pallas_src>

<mosaic_0001>
#map = affine_map<(d0, d1) -> (0)>
#map1 = affine_map<(d0, d1) -> (0, 0)>
module attributes {stable_mosaic.version = 14 : i64} {
  func.func @emb_kernel(%arg0: i32, %arg1: i32, %arg2: memref<204800xi32, #tpu.memory_space<hbm>>, %arg3: memref<100000x128xf32, #tpu.memory_space<hbm>>, %arg4: memref<16xf32, #tpu.memory_space<hbm>>, %arg5: memref<204800x128xf32, #tpu.memory_space<hbm>>, %arg6: memref<6400xi32, #tpu.memory_space<vmem>>, %arg7: memref<80x128xf32, #tpu.memory_space<vmem>>, %arg8: memref<80x128xf32, #tpu.memory_space<vmem>>, %arg9: memref<80x128xf32, #tpu.memory_space<vmem>>, %arg10: memref<80x128xf32, #tpu.memory_space<vmem>>, %arg11: memref<80x128xf32, #tpu.memory_space<vmem>>, %arg12: memref<80x128xf32, #tpu.memory_space<vmem>>, %arg13: memref<80x128xf32, #tpu.memory_space<vmem>>, %arg14: memref<80x128xf32, #tpu.memory_space<vmem>>, %arg15: memref<80x128xf32, #tpu.memory_space<vmem>>, %arg16: memref<80x128xf32, #tpu.memory_space<vmem>>, %arg17: memref<16xf32, #tpu.memory_space<vmem>>, %arg18: memref<!tpu.dma_semaphore, #tpu.memory_space<semaphore_mem>>, %arg19: memref<!tpu.dma_semaphore, #tpu.memory_space<semaphore_mem>>, %arg20: memref<!tpu.dma_semaphore, #tpu.memory_space<semaphore_mem>>, %arg21: memref<!tpu.dma_semaphore, #tpu.memory_space<semaphore_mem>>, %arg22: memref<!tpu.dma_semaphore, #tpu.memory_space<semaphore_mem>>, %arg23: memref<!tpu.dma_semaphore, #tpu.memory_space<semaphore_mem>>, %arg24: memref<!tpu.dma_semaphore, #tpu.memory_space<semaphore_mem>>, %arg25: memref<!tpu.dma_semaphore, #tpu.memory_space<semaphore_mem>>, %arg26: memref<!tpu.dma_semaphore, #tpu.memory_space<semaphore_mem>>, %arg27: memref<!tpu.dma_semaphore, #tpu.memory_space<semaphore_mem>>) attributes {dimension_semantics = [#tpu.dimension_semantics<core_parallel>, #tpu.dimension_semantics<subcore_parallel>], iteration_bounds = array<i64: 2, 16>, scalar_prefetch = 0 : i64, scratch_operands = 22 : i64, tpu.core_type = #tpu.core_type<sc_vector_subcore>, window_params = [{transform_indices = #map}, {transform_indices = #map1}, {transform_indices = #map}, {transform_indices = #map1}]} {
    %mul3A = arith.constant 2 : i32
    %mul3A_0 = arith.muli %arg1, %mul3A : i32
    %add3A = arith.addi %mul3A_0, %arg0 : i32
    %mul3A_1 = arith.constant 6400 : i32
    %mul3A_2 = arith.muli %add3A, %mul3A_1 : i32
    tpu.enqueue_dma source(%arg4 : memref<16xf32, #tpu.memory_space<hbm>>) target(%arg17 : memref<16xf32, #tpu.memory_space<vmem>>) target_semaphore(%arg23 : memref<!tpu.dma_semaphore, #tpu.memory_space<semaphore_mem>>)
    %dma_start3A = tpu.memref_slice %arg2[%mul3A_2] : memref<204800xi32, #tpu.memory_space<hbm>> -> memref<6400xi32, #tpu.memory_space<hbm>>
    %dma_start3A_3 = tpu.memref_slice %arg2[%mul3A_2] : memref<204800xi32, #tpu.memory_space<hbm>> -> memref<6400xi32, #tpu.memory_space<hbm>>
    tpu.enqueue_dma source(%dma_start3A_3 : memref<6400xi32, #tpu.memory_space<hbm>>) target(%arg6 : memref<6400xi32, #tpu.memory_space<vmem>>) target_semaphore(%arg18 : memref<!tpu.dma_semaphore, #tpu.memory_space<semaphore_mem>>)
    %dma_wait3A = tpu.memref_slice %arg2[%mul3A_2] : memref<204800xi32, #tpu.memory_space<hbm>> -> memref<6400xi32, #tpu.memory_space<hbm>>
    %dma_wait3A_4 = tpu.memref_slice %arg2[%mul3A_2] : memref<204800xi32, #tpu.memory_space<hbm>> -> memref<6400xi32, #tpu.memory_space<hbm>>
    tpu.wait_dma2 semaphore(%arg18 : memref<!tpu.dma_semaphore, #tpu.memory_space<semaphore_mem>>) src(%dma_wait3A_4 : memref<6400xi32, #tpu.memory_space<hbm>>) dst(%arg6 : memref<6400xi32, #tpu.memory_space<vmem>>)
    %dma_start3A_5 = arith.constant 0 : i32
    %dma_start3A_6 = tpu.memref_slice %arg6[%dma_start3A_5] : memref<6400xi32, #tpu.memory_space<vmem>> -> memref<80xi32, #tpu.memory_space<vmem>>
    %dma_start3A_7 = arith.constant 0 : i32
    %dma_start3A_8 = arith.constant 0 : i32
    %dma_start3A_9 = tpu.memref_slice %arg3[%dma_start3A_7, %dma_start3A_8] : memref<100000x128xf32, #tpu.memory_space<hbm>> -> memref<100000x128xf32, #tpu.memory_space<hbm>>
    tpu.enqueue_indirect_dma source(%dma_start3A_9 : memref<100000x128xf32, #tpu.memory_space<hbm>>) target(%arg7 : memref<80x128xf32, #tpu.memory_space<vmem>>) offsets(%dma_start3A_6 : memref<80xi32, #tpu.memory_space<vmem>>) semaphore(%arg18 : memref<!tpu.dma_semaphore, #tpu.memory_space<semaphore_mem>>)
    %dma_start3A_10 = arith.constant 80 : i32
    %dma_start3A_11 = tpu.memref_slice %arg6[%dma_start3A_10] : memref<6400xi32, #tpu.memory_space<vmem>> -> memref<80xi32, #tpu.memory_space<vmem>>
    %dma_start3A_12 = arith.constant 0 : i32
    %dma_start3A_13 = arith.constant 0 : i32
    %dma_start3A_14 = tpu.memref_slice %arg3[%dma_start3A_12, %dma_start3A_13] : memref<100000x128xf32, #tpu.memory_space<hbm>> -> memref<100000x128xf32, #tpu.memory_space<hbm>>
    tpu.enqueue_indirect_dma source(%dma_start3A_14 : memref<100000x128xf32, #tpu.memory_space<hbm>>) target(%arg8 : memref<80x128xf32, #tpu.memory_space<vmem>>) offsets(%dma_start3A_11 : memref<80xi32, #tpu.memory_space<vmem>>) semaphore(%arg19 : memref<!tpu.dma_semaphore, #tpu.memory_space<semaphore_mem>>)
    %dma_start3A_15 = arith.constant 160 : i32
    %dma_start3A_16 = tpu.memref_slice %arg6[%dma_start3A_15] : memref<6400xi32, #tpu.memory_space<vmem>> -> memref<80xi32, #tpu.memory_space<vmem>>
    %dma_start3A_17 = arith.constant 0 : i32
    %dma_start3A_18 = arith.constant 0 : i32
    %dma_start3A_19 = tpu.memref_slice %arg3[%dma_start3A_17, %dma_start3A_18] : memref<100000x128xf32, #tpu.memory_space<hbm>> -> memref<100000x128xf32, #tpu.memory_space<hbm>>
    tpu.enqueue_indirect_dma source(%dma_start3A_19 : memref<100000x128xf32, #tpu.memory_space<hbm>>) target(%arg9 : memref<80x128xf32, #tpu.memory_space<vmem>>) offsets(%dma_start3A_16 : memref<80xi32, #tpu.memory_space<vmem>>) semaphore(%arg20 : memref<!tpu.dma_semaphore, #tpu.memory_space<semaphore_mem>>)
    %dma_start3A_20 = arith.constant 240 : i32
    %dma_start3A_21 = tpu.memref_slice %arg6[%dma_start3A_20] : memref<6400xi32, #tpu.memory_space<vmem>> -> memref<80xi32, #tpu.memory_space<vmem>>
    %dma_start3A_22 = arith.constant 0 : i32
    %dma_start3A_23 = arith.constant 0 : i32
    %dma_start3A_24 = tpu.memref_slice %arg3[%dma_start3A_22, %dma_start3A_23] : memref<100000x128xf32, #tpu.memory_space<hbm>> -> memref<100000x128xf32, #tpu.memory_space<hbm>>
    tpu.enqueue_indirect_dma source(%dma_start3A_24 : memref<100000x128xf32, #tpu.memory_space<hbm>>) target(%arg10 : memref<80x128xf32, #tpu.memory_space<vmem>>) offsets(%dma_start3A_21 : memref<80xi32, #tpu.memory_space<vmem>>) semaphore(%arg21 : memref<!tpu.dma_semaphore, #tpu.memory_space<semaphore_mem>>)
    %dma_start3A_25 = arith.constant 320 : i32
    %dma_start3A_26 = tpu.memref_slice %arg6[%dma_start3A_25] : memref<6400xi32, #tpu.memory_space<vmem>> -> memref<80xi32, #tpu.memory_space<vmem>>
    %dma_start3A_27 = arith.constant 0 : i32
    %dma_start3A_28 = arith.constant 0 : i32
    %dma_start3A_29 = tpu.memref_slice %arg3[%dma_start3A_27, %dma_start3A_28] : memref<100000x128xf32, #tpu.memory_space<hbm>> -> memref<100000x128xf32, #tpu.memory_space<hbm>>
    tpu.enqueue_indirect_dma source(%dma_start3A_29 : memref<100000x128xf32, #tpu.memory_space<hbm>>) target(%arg11 : memref<80x128xf32, #tpu.memory_space<vmem>>) offsets(%dma_start3A_26 : memref<80xi32, #tpu.memory_space<vmem>>) semaphore(%arg22 : memref<!tpu.dma_semaphore, #tpu.memory_space<semaphore_mem>>)
    tpu.wait_dma2 semaphore(%arg23 : memref<!tpu.dma_semaphore, #tpu.memory_space<semaphore_mem>>) src(%arg4 : memref<16xf32, #tpu.memory_space<hbm>>) dst(%arg17 : memref<16xf32, #tpu.memory_space<vmem>>)
    %get3A = arith.constant 0 : index
    %get3A_30 = tpu.vector_load %arg17[%get3A] {strides = array<i32>} : memref<16xf32, #tpu.memory_space<vmem>>, vector<16xf32>,
    %get3A_31 = vector.shape_cast %get3A_30 : vector<16xf32> to vector<16xf32>
    %scan3A = arith.constant 0 : i32
    %scan3A_32 = arith.constant 0 : i32
    %scan3A_33 = arith.constant 16 : i32
    %scan3A_34 = arith.addi %scan3A_32, %scan3A_33 : i32
    %scan3A_35 = arith.constant 1 : i32
    scf.for %scan3A_67 = %scan3A_32 to %scan3A_34 step %scan3A_35  : i32 {
      %mul3A_68 = arith.constant 5 : i32
      %mul3A_69 = arith.muli %mul3A_68, %scan3A_67 : i32
      %add3A_70 = arith.constant 0 : i32
      %add3A_71 = arith.addi %mul3A_69, %add3A_70 : i32
      %dma_wait3A_72 = arith.constant 0 : i32
      %dma_wait3A_73 = arith.constant 0 : i32
      %dma_wait3A_74 = tpu.memref_slice %arg3[%dma_wait3A_72, %dma_wait3A_73] : memref<100000x128xf32, #tpu.memory_space<hbm>> -> memref<80x128xf32, #tpu.memory_space<hbm>>
      %dma_wait3A_75 = arith.constant 0 : i32
      %dma_wait3A_76 = arith.constant 0 : i32
      %dma_wait3A_77 = tpu.memref_slice %arg3[%dma_wait3A_75, %dma_wait3A_76] : memref<100000x128xf32, #tpu.memory_space<hbm>> -> memref<80x128xf32, #tpu.memory_space<hbm>>
      tpu.wait_dma2 semaphore(%arg18 : memref<!tpu.dma_semaphore, #tpu.memory_space<semaphore_mem>>) src(%dma_wait3A_77 : memref<80x128xf32, #tpu.memory_space<hbm>>) dst(%arg7 : memref<80x128xf32, #tpu.memory_space<vmem>>)
      %gt3A = arith.constant 0 : i32
      %gt3A_78 = arith.cmpi sgt, %scan3A_67, %gt3A : i32
      %convert_element_type3A = arith.extui %gt3A_78 : i1 to i32
      %cond3A = arith.constant 0 : i32
      %cond3A_79 = arith.cmpi ne, %convert_element_type3A, %cond3A : i32
      scf.if %cond3A_79 {
        %dma_wait3A_223 = arith.constant 0 : i32
        %dma_wait3A_224 = arith.constant 0 : i32
        %dma_wait3A_225 = tpu.memref_slice %arg5[%dma_wait3A_223, %dma_wait3A_224] : memref<204800x128xf32, #tpu.memory_space<hbm>> -> memref<80x128xf32, #tpu.memory_space<hbm>>
        %dma_wait3A_226 = arith.constant 0 : i32
        %dma_wait3A_227 = arith.constant 0 : i32
        %dma_wait3A_228 = tpu.memref_slice %arg5[%dma_wait3A_226, %dma_wait3A_227] : memref<204800x128xf32, #tpu.memory_space<hbm>> -> memref<80x128xf32, #tpu.memory_space<hbm>>
        tpu.wait_dma2 semaphore(%arg23 : memref<!tpu.dma_semaphore, #tpu.memory_space<semaphore_mem>>) src(%arg12 : memref<80x128xf32, #tpu.memory_space<vmem>>) dst(%dma_wait3A_228 : memref<80x128xf32, #tpu.memory_space<hbm>>)
      } else {
      }
      %parallel_loop3A = arith.constant 0 : i32
      %parallel_loop3A_80 = arith.constant 80 : i32
      %parallel_loop3A_81 = arith.constant 1 : i32
      scf.for %parallel_loop3A_223 = %parallel_loop3A to %parallel_loop3A_80 step %parallel_loop3A_81  : i32 {
        %parallel_loop3A_224 = arith.index_cast %parallel_loop3A_223 : i32 to index
        %parallel_loop3A_225 = arith.constant 0 : index
        %parallel_loop3A_226 = tpu.vector_load %arg7[%parallel_loop3A_224, %parallel_loop3A_225] {strides = array<i32>} : memref<80x128xf32, #tpu.memory_space<vmem>>, vector<1x16xf32>,
        %parallel_loop3A_227 = vector.shape_cast %parallel_loop3A_226 : vector<1x16xf32> to vector<16xf32>
        %parallel_loop3A_228 = arith.mulf %parallel_loop3A_227, %get3A_31 : vector<16xf32>
        %parallel_loop3A_229 = arith.index_cast %parallel_loop3A_223 : i32 to index
        %parallel_loop3A_230 = arith.constant 0 : index
        %parallel_loop3A_231 = tpu.vector_load %arg12[%parallel_loop3A_229, %parallel_loop3A_230] {strides = array<i32>} : memref<80x128xf32, #tpu.memory_space<vmem>>, vector<1x16xf32>,
        %parallel_loop3A_232 = vector.shape_cast %parallel_loop3A_231 : vector<1x16xf32> to vector<16xf32>
        %parallel_loop3A_233 = vector.shape_cast %parallel_loop3A_228 : vector<16xf32> to vector<1x16xf32>
        tpu.vector_store %arg12[%parallel_loop3A_229, %parallel_loop3A_230], %parallel_loop3A_233 {strides = array<i32>} : memref<80x128xf32, #tpu.memory_space<vmem>>, vector<1x16xf32>,
        %parallel_loop3A_234 = arith.index_cast %parallel_loop3A_223 : i32 to index
        %parallel_loop3A_235 = arith.constant 16 : index
        %parallel_loop3A_236 = tpu.vector_load %arg7[%parallel_loop3A_234, %parallel_loop3A_235] {strides = array<i32>} : memref<80x128xf32, #tpu.memory_space<vmem>>, vector<1x16xf32>,
        %parallel_loop3A_237 = vector.shape_cast %parallel_loop3A_236 : vector<1x16xf32> to vector<16xf32>
        %parallel_loop3A_238 = arith.mulf %parallel_loop3A_237, %get3A_31 : vector<16xf32>
        %parallel_loop3A_239 = arith.index_cast %parallel_loop3A_223 : i32 to index
        %parallel_loop3A_240 = arith.constant 16 : index
        %parallel_loop3A_241 = tpu.vector_load %arg12[%parallel_loop3A_239, %parallel_loop3A_240] {strides = array<i32>} : memref<80x128xf32, #tpu.memory_space<vmem>>, vector<1x16xf32>,
        %parallel_loop3A_242 = vector.shape_cast %parallel_loop3A_241 : vector<1x16xf32> to vector<16xf32>
        %parallel_loop3A_243 = vector.shape_cast %parallel_loop3A_238 : vector<16xf32> to vector<1x16xf32>
        tpu.vector_store %arg12[%parallel_loop3A_239, %parallel_loop3A_240], %parallel_loop3A_243 {strides = array<i32>} : memref<80x128xf32, #tpu.memory_space<vmem>>, vector<1x16xf32>,
        %parallel_loop3A_244 = arith.index_cast %parallel_loop3A_223 : i32 to index
        %parallel_loop3A_245 = arith.constant 32 : index
        %parallel_loop3A_246 = tpu.vector_load %arg7[%parallel_loop3A_244, %parallel_loop3A_245] {strides = array<i32>} : memref<80x128xf32, #tpu.memory_space<vmem>>, vector<1x16xf32>,
        %parallel_loop3A_247 = vector.shape_cast %parallel_loop3A_246 : vector<1x16xf32> to vector<16xf32>
        %parallel_loop3A_248 = arith.mulf %parallel_loop3A_247, %get3A_31 : vector<16xf32>
        %parallel_loop3A_249 = arith.index_cast %parallel_loop3A_223 : i32 to index
        %parallel_loop3A_250 = arith.constant 32 : index
        %parallel_loop3A_251 = tpu.vector_load %arg12[%parallel_loop3A_249, %parallel_loop3A_250] {strides = array<i32>} : memref<80x128xf32, #tpu.memory_space<vmem>>, vector<1x16xf32>,
        %parallel_loop3A_252 = vector.shape_cast %parallel_loop3A_251 : vector<1x16xf32> to vector<16xf32>
        %parallel_loop3A_253 = vector.shape_cast %parallel_loop3A_248 : vector<16xf32> to vector<1x16xf32>
        tpu.vector_store %arg12[%parallel_loop3A_249, %parallel_loop3A_250], %parallel_loop3A_253 {strides = array<i32>} : memref<80x128xf32, #tpu.memory_space<vmem>>, vector<1x16xf32>,
        %parallel_loop3A_254 = arith.index_cast %parallel_loop3A_223 : i32 to index
        %parallel_loop3A_255 = arith.constant 48 : index
        %parallel_loop3A_256 = tpu.vector_load %arg7[%parallel_loop3A_254, %parallel_loop3A_255] {strides = array<i32>} : memref<80x128xf32, #tpu.memory_space<vmem>>, vector<1x16xf32>,
        %parallel_loop3A_257 = vector.shape_cast %parallel_loop3A_256 : vector<1x16xf32> to vector<16xf32>
        %parallel_loop3A_258 = arith.mulf %parallel_loop3A_257, %get3A_31 : vector<16xf32>
        %parallel_loop3A_259 = arith.index_cast %parallel_loop3A_223 : i32 to index
        %parallel_loop3A_260 = arith.constant 48 : index
        %parallel_loop3A_261 = tpu.vector_load %arg12[%parallel_loop3A_259, %parallel_loop3A_260] {strides = array<i32>} : memref<80x128xf32, #tpu.memory_space<vmem>>, vector<1x16xf32>,
        %parallel_loop3A_262 = vector.shape_cast %parallel_loop3A_261 : vector<1x16xf32> to vector<16xf32>
        %parallel_loop3A_263 = vector.shape_cast %parallel_loop3A_258 : vector<16xf32> to vector<1x16xf32>
        tpu.vector_store %arg12[%parallel_loop3A_259, %parallel_loop3A_260], %parallel_loop3A_263 {strides = array<i32>} : memref<80x128xf32, #tpu.memory_space<vmem>>, vector<1x16xf32>,
        %parallel_loop3A_264 = arith.index_cast %parallel_loop3A_223 : i32 to index
        %parallel_loop3A_265 = arith.constant 64 : index
        %parallel_loop3A_266 = tpu.vector_load %arg7[%parallel_loop3A_264, %parallel_loop3A_265] {strides = array<i32>} : memref<80x128xf32, #tpu.memory_space<vmem>>, vector<1x16xf32>,
        %parallel_loop3A_267 = vector.shape_cast %parallel_loop3A_266 : vector<1x16xf32> to vector<16xf32>
        %parallel_loop3A_268 = arith.mulf %parallel_loop3A_267, %get3A_31 : vector<16xf32>
        %parallel_loop3A_269 = arith.index_cast %parallel_loop3A_223 : i32 to index
        %parallel_loop3A_270 = arith.constant 64 : index
        %parallel_loop3A_271 = tpu.vector_load %arg12[%parallel_loop3A_269, %parallel_loop3A_270] {strides = array<i32>} : memref<80x128xf32, #tpu.memory_space<vmem>>, vector<1x16xf32>,
        %parallel_loop3A_272 = vector.shape_cast %parallel_loop3A_271 : vector<1x16xf32> to vector<16xf32>
        %parallel_loop3A_273 = vector.shape_cast %parallel_loop3A_268 : vector<16xf32> to vector<1x16xf32>
        tpu.vector_store %arg12[%parallel_loop3A_269, %parallel_loop3A_270], %parallel_loop3A_273 {strides = array<i32>} : memref<80x128xf32, #tpu.memory_space<vmem>>, vector<1x16xf32>,
        %parallel_loop3A_274 = arith.index_cast %parallel_loop3A_223 : i32 to index
        %parallel_loop3A_275 = arith.constant 80 : index
        %parallel_loop3A_276 = tpu.vector_load %arg7[%parallel_loop3A_274, %parallel_loop3A_275] {strides = array<i32>} : memref<80x128xf32, #tpu.memory_space<vmem>>, vector<1x16xf32>,
        %parallel_loop3A_277 = vector.shape_cast %parallel_loop3A_276 : vector<1x16xf32> to vector<16xf32>
        %parallel_loop3A_278 = arith.mulf %parallel_loop3A_277, %get3A_31 : vector<16xf32>
        %parallel_loop3A_279 = arith.index_cast %parallel_loop3A_223 : i32 to index
        %parallel_loop3A_280 = arith.constant 80 : index
        %parallel_loop3A_281 = tpu.vector_load %arg12[%parallel_loop3A_279, %parallel_loop3A_280] {strides = array<i32>} : memref<80x128xf32, #tpu.memory_space<vmem>>, vector<1x16xf32>,
        %parallel_loop3A_282 = vector.shape_cast %parallel_loop3A_281 : vector<1x16xf32> to vector<16xf32>
        %parallel_loop3A_283 = vector.shape_cast %parallel_loop3A_278 : vector<16xf32> to vector<1x16xf32>
        tpu.vector_store %arg12[%parallel_loop3A_279, %parallel_loop3A_280], %parallel_loop3A_283 {strides = array<i32>} : memref<80x128xf32, #tpu.memory_space<vmem>>, vector<1x16xf32>,
        %parallel_loop3A_284 = arith.index_cast %parallel_loop3A_223 : i32 to index
        %parallel_loop3A_285 = arith.constant 96 : index
        %parallel_loop3A_286 = tpu.vector_load %arg7[%parallel_loop3A_284, %parallel_loop3A_285] {strides = array<i32>} : memref<80x128xf32, #tpu.memory_space<vmem>>, vector<1x16xf32>,
        %parallel_loop3A_287 = vector.shape_cast %parallel_loop3A_286 : vector<1x16xf32> to vector<16xf32>
        %parallel_loop3A_288 = arith.mulf %parallel_loop3A_287, %get3A_31 : vector<16xf32>
        %parallel_loop3A_289 = arith.index_cast %parallel_loop3A_223 : i32 to index
        %parallel_loop3A_290 = arith.constant 96 : index
        %parallel_loop3A_291 = tpu.vector_load %arg12[%parallel_loop3A_289, %parallel_loop3A_290] {strides = array<i32>} : memref<80x128xf32, #tpu.memory_space<vmem>>, vector<1x16xf32>,
        %parallel_loop3A_292 = vector.shape_cast %parallel_loop3A_291 : vector<1x16xf32> to vector<16xf32>
        %parallel_loop3A_293 = vector.shape_cast %parallel_loop3A_288 : vector<16xf32> to vector<1x16xf32>
        tpu.vector_store %arg12[%parallel_loop3A_289, %parallel_loop3A_290], %parallel_loop3A_293 {strides = array<i32>} : memref<80x128xf32, #tpu.memory_space<vmem>>, vector<1x16xf32>,
        %parallel_loop3A_294 = arith.index_cast %parallel_loop3A_223 : i32 to index
        %parallel_loop3A_295 = arith.constant 112 : index
        %parallel_loop3A_296 = tpu.vector_load %arg7[%parallel_loop3A_294, %parallel_loop3A_295] {strides = array<i32>} : memref<80x128xf32, #tpu.memory_space<vmem>>, vector<1x16xf32>,
        %parallel_loop3A_297 = vector.shape_cast %parallel_loop3A_296 : vector<1x16xf32> to vector<16xf32>
        %parallel_loop3A_298 = arith.mulf %parallel_loop3A_297, %get3A_31 : vector<16xf32>
        %parallel_loop3A_299 = arith.index_cast %parallel_loop3A_223 : i32 to index
        %parallel_loop3A_300 = arith.constant 112 : index
        %parallel_loop3A_301 = tpu.vector_load %arg12[%parallel_loop3A_299, %parallel_loop3A_300] {strides = array<i32>} : memref<80x128xf32, #tpu.memory_space<vmem>>, vector<1x16xf32>,
        %parallel_loop3A_302 = vector.shape_cast %parallel_loop3A_301 : vector<1x16xf32> to vector<16xf32>
        %parallel_loop3A_303 = vector.shape_cast %parallel_loop3A_298 : vector<16xf32> to vector<1x16xf32>
        tpu.vector_store %arg12[%parallel_loop3A_299, %parallel_loop3A_300], %parallel_loop3A_303 {strides = array<i32>} : memref<80x128xf32, #tpu.memory_space<vmem>>, vector<1x16xf32>,
      } {sc.loop_unroll_factor = 4 : i64, sc.parallel_access}
      %mul3A_82 = arith.constant 80 : i32
      %mul3A_83 = arith.muli %add3A_71, %mul3A_82 : i32
      %add3A_84 = arith.addi %mul3A_2, %mul3A_83 : i32
      %dma_start3A_85 = arith.constant 0 : i32
      %dma_start3A_86 = tpu.memref_slice %arg5[%add3A_84, %dma_start3A_85] : memref<204800x128xf32, #tpu.memory_space<hbm>> -> memref<80x128xf32, #tpu.memory_space<hbm>>
      %dma_start3A_87 = arith.constant 0 : i32
      %dma_start3A_88 = tpu.memref_slice %arg5[%add3A_84, %dma_start3A_87] : memref<204800x128xf32, #tpu.memory_space<hbm>> -> memref<80x128xf32, #tpu.memory_space<hbm>>
      tpu.enqueue_dma source(%arg12 : memref<80x128xf32, #tpu.memory_space<vmem>>) target(%dma_start3A_88 : memref<80x128xf32, #tpu.memory_space<hbm>>) target_semaphore(%arg23 : memref<!tpu.dma_semaphore, #tpu.memory_space<semaphore_mem>>)
      %add3A_89 = arith.constant 1 : i32
      %add3A_90 = arith.addi %scan3A_67, %add3A_89 : i32
      %lt3A = arith.constant 16 : i32
      %lt3A_91 = arith.cmpi slt, %add3A_90, %lt3A : i32
      %convert_element_type3A_92 = arith.extui %lt3A_91 : i1 to i32
      %cond3A_93 = arith.constant 0 : i32
      %cond3A_94 = arith.cmpi ne, %convert_element_type3A_92, %cond3A_93 : i32
      scf.if %cond3A_94 {
        %add3A_223 = arith.constant 5 : i32
        %add3A_224 = arith.addi %add3A_71, %add3A_223 : i32
        %mul3A_225 = arith.constant 80 : i32
        %mul3A_226 = arith.muli %add3A_224, %mul3A_225 : i32
        %dma_start3A_227 = tpu.memref_slice %arg6[%mul3A_226] : memref<6400xi32, #tpu.memory_space<vmem>> -> memref<80xi32, #tpu.memory_space<vmem>>
        %dma_start3A_228 = arith.constant 0 : i32
        %dma_start3A_229 = arith.constant 0 : i32
        %dma_start3A_230 = tpu.memref_slice %arg3[%dma_start3A_228, %dma_start3A_229] : memref<100000x128xf32, #tpu.memory_space<hbm>> -> memref<100000x128xf32, #tpu.memory_space<hbm>>
        tpu.enqueue_indirect_dma source(%dma_start3A_230 : memref<100000x128xf32, #tpu.memory_space<hbm>>) target(%arg7 : memref<80x128xf32, #tpu.memory_space<vmem>>) offsets(%dma_start3A_227 : memref<80xi32, #tpu.memory_space<vmem>>) semaphore(%arg18 : memref<!tpu.dma_semaphore, #tpu.memory_space<semaphore_mem>>)
      } else {
      }
      %mul3A_95 = arith.constant 5 : i32
      %mul3A_96 = arith.muli %mul3A_95, %scan3A_67 : i32
      %add3A_97 = arith.constant 1 : i32
      %add3A_98 = arith.addi %mul3A_96, %add3A_97 : i32
      %dma_wait3A_99 = arith.constant 0 : i32
      %dma_wait3A_100 = arith.constant 0 : i32
      %dma_wait3A_101 = tpu.memref_slice %arg3[%dma_wait3A_99, %dma_wait3A_100] : memref<100000x128xf32, #tpu.memory_space<hbm>> -> memref<80x128xf32, #tpu.memory_space<hbm>>
      %dma_wait3A_102 = arith.constant 0 : i32
      %dma_wait3A_103 = arith.constant 0 : i32
      %dma_wait3A_104 = tpu.memref_slice %arg3[%dma_wait3A_102, %dma_wait3A_103] : memref<100000x128xf32, #tpu.memory_space<hbm>> -> memref<80x128xf32, #tpu.memory_space<hbm>>
      tpu.wait_dma2 semaphore(%arg19 : memref<!tpu.dma_semaphore, #tpu.memory_space<semaphore_mem>>) src(%dma_wait3A_104 : memref<80x128xf32, #tpu.memory_space<hbm>>) dst(%arg8 : memref<80x128xf32, #tpu.memory_space<vmem>>)
      %gt3A_105 = arith.constant 0 : i32
      %gt3A_106 = arith.cmpi sgt, %scan3A_67, %gt3A_105 : i32
      %convert_element_type3A_107 = arith.extui %gt3A_106 : i1 to i32
      %cond3A_108 = arith.constant 0 : i32
      %cond3A_109 = arith.cmpi ne, %convert_element_type3A_107, %cond3A_108 : i32
      scf.if %cond3A_109 {
        %dma_wait3A_223 = arith.constant 0 : i32
        %dma_wait3A_224 = arith.constant 0 : i32
        %dma_wait3A_225 = tpu.memref_slice %arg5[%dma_wait3A_223, %dma_wait3A_224] : memref<204800x128xf32, #tpu.memory_space<hbm>> -> memref<80x128xf32, #tpu.memory_space<hbm>>
        %dma_wait3A_226 = arith.constant 0 : i32
        %dma_wait3A_227 = arith.constant 0 : i32
        %dma_wait3A_228 = tpu.memref_slice %arg5[%dma_wait3A_226, %dma_wait3A_227] : memref<204800x128xf32, #tpu.memory_space<hbm>> -> memref<80x128xf32, #tpu.memory_space<hbm>>
        tpu.wait_dma2 semaphore(%arg24 : memref<!tpu.dma_semaphore, #tpu.memory_space<semaphore_mem>>) src(%arg13 : memref<80x128xf32, #tpu.memory_space<vmem>>) dst(%dma_wait3A_228 : memref<80x128xf32, #tpu.memory_space<hbm>>)
      } else {
      }
      %parallel_loop3A_110 = arith.constant 0 : i32
      %parallel_loop3A_111 = arith.constant 80 : i32
      %parallel_loop3A_112 = arith.constant 1 : i32
      scf.for %parallel_loop3A_223 = %parallel_loop3A_110 to %parallel_loop3A_111 step %parallel_loop3A_112  : i32 {
        %parallel_loop3A_224 = arith.index_cast %parallel_loop3A_223 : i32 to index
        %parallel_loop3A_225 = arith.constant 0 : index
        %parallel_loop3A_226 = tpu.vector_load %arg8[%parallel_loop3A_224, %parallel_loop3A_225] {strides = array<i32>} : memref<80x128xf32, #tpu.memory_space<vmem>>, vector<1x16xf32>,
        %parallel_loop3A_227 = vector.shape_cast %parallel_loop3A_226 : vector<1x16xf32> to vector<16xf32>
        %parallel_loop3A_228 = arith.mulf %parallel_loop3A_227, %get3A_31 : vector<16xf32>
        %parallel_loop3A_229 = arith.index_cast %parallel_loop3A_223 : i32 to index
        %parallel_loop3A_230 = arith.constant 0 : index
        %parallel_loop3A_231 = tpu.vector_load %arg13[%parallel_loop3A_229, %parallel_loop3A_230] {strides = array<i32>} : memref<80x128xf32, #tpu.memory_space<vmem>>, vector<1x16xf32>,
        %parallel_loop3A_232 = vector.shape_cast %parallel_loop3A_231 : vector<1x16xf32> to vector<16xf32>
        %parallel_loop3A_233 = vector.shape_cast %parallel_loop3A_228 : vector<16xf32> to vector<1x16xf32>
        tpu.vector_store %arg13[%parallel_loop3A_229, %parallel_loop3A_230], %parallel_loop3A_233 {strides = array<i32>} : memref<80x128xf32, #tpu.memory_space<vmem>>, vector<1x16xf32>,
        %parallel_loop3A_234 = arith.index_cast %parallel_loop3A_223 : i32 to index
        %parallel_loop3A_235 = arith.constant 16 : index
        %parallel_loop3A_236 = tpu.vector_load %arg8[%parallel_loop3A_234, %parallel_loop3A_235] {strides = array<i32>} : memref<80x128xf32, #tpu.memory_space<vmem>>, vector<1x16xf32>,
        %parallel_loop3A_237 = vector.shape_cast %parallel_loop3A_236 : vector<1x16xf32> to vector<16xf32>
        %parallel_loop3A_238 = arith.mulf %parallel_loop3A_237, %get3A_31 : vector<16xf32>
        %parallel_loop3A_239 = arith.index_cast %parallel_loop3A_223 : i32 to index
        %parallel_loop3A_240 = arith.constant 16 : index
        %parallel_loop3A_241 = tpu.vector_load %arg13[%parallel_loop3A_239, %parallel_loop3A_240] {strides = array<i32>} : memref<80x128xf32, #tpu.memory_space<vmem>>, vector<1x16xf32>,
        %parallel_loop3A_242 = vector.shape_cast %parallel_loop3A_241 : vector<1x16xf32> to vector<16xf32>
        %parallel_loop3A_243 = vector.shape_cast %parallel_loop3A_238 : vector<16xf32> to vector<1x16xf32>
        tpu.vector_store %arg13[%parallel_loop3A_239, %parallel_loop3A_240], %parallel_loop3A_243 {strides = array<i32>} : memref<80x128xf32, #tpu.memory_space<vmem>>, vector<1x16xf32>,
        %parallel_loop3A_244 = arith.index_cast %parallel_loop3A_223 : i32 to index
        %parallel_loop3A_245 = arith.constant 32 : index
        %parallel_loop3A_246 = tpu.vector_load %arg8[%parallel_loop3A_244, %parallel_loop3A_245] {strides = array<i32>} : memref<80x128xf32, #tpu.memory_space<vmem>>, vector<1x16xf32>,
        %parallel_loop3A_247 = vector.shape_cast %parallel_loop3A_246 : vector<1x16xf32> to vector<16xf32>
        %parallel_loop3A_248 = arith.mulf %parallel_loop3A_247, %get3A_31 : vector<16xf32>
        %parallel_loop3A_249 = arith.index_cast %parallel_loop3A_223 : i32 to index
        %parallel_loop3A_250 = arith.constant 32 : index
        %parallel_loop3A_251 = tpu.vector_load %arg13[%parallel_loop3A_249, %parallel_loop3A_250] {strides = array<i32>} : memref<80x128xf32, #tpu.memory_space<vmem>>, vector<1x16xf32>,
        %parallel_loop3A_252 = vector.shape_cast %parallel_loop3A_251 : vector<1x16xf32> to vector<16xf32>
        %parallel_loop3A_253 = vector.shape_cast %parallel_loop3A_248 : vector<16xf32> to vector<1x16xf32>
        tpu.vector_store %arg13[%parallel_loop3A_249, %parallel_loop3A_250], %parallel_loop3A_253 {strides = array<i32>} : memref<80x128xf32, #tpu.memory_space<vmem>>, vector<1x16xf32>,
        %parallel_loop3A_254 = arith.index_cast %parallel_loop3A_223 : i32 to index
        %parallel_loop3A_255 = arith.constant 48 : index
        %parallel_loop3A_256 = tpu.vector_load %arg8[%parallel_loop3A_254, %parallel_loop3A_255] {strides = array<i32>} : memref<80x128xf32, #tpu.memory_space<vmem>>, vector<1x16xf32>,
        %parallel_loop3A_257 = vector.shape_cast %parallel_loop3A_256 : vector<1x16xf32> to vector<16xf32>
        %parallel_loop3A_258 = arith.mulf %parallel_loop3A_257, %get3A_31 : vector<16xf32>
        %parallel_loop3A_259 = arith.index_cast %parallel_loop3A_223 : i32 to index
        %parallel_loop3A_260 = arith.constant 48 : index
        %parallel_loop3A_261 = tpu.vector_load %arg13[%parallel_loop3A_259, %parallel_loop3A_260] {strides = array<i32>} : memref<80x128xf32, #tpu.memory_space<vmem>>, vector<1x16xf32>,
        %parallel_loop3A_262 = vector.shape_cast %parallel_loop3A_261 : vector<1x16xf32> to vector<16xf32>
        %parallel_loop3A_263 = vector.shape_cast %parallel_loop3A_258 : vector<16xf32> to vector<1x16xf32>
        tpu.vector_store %arg13[%parallel_loop3A_259, %parallel_loop3A_260], %parallel_loop3A_263 {strides = array<i32>} : memref<80x128xf32, #tpu.memory_space<vmem>>, vector<1x16xf32>,
        %parallel_loop3A_264 = arith.index_cast %parallel_loop3A_223 : i32 to index
        %parallel_loop3A_265 = arith.constant 64 : index
        %parallel_loop3A_266 = tpu.vector_load %arg8[%parallel_loop3A_264, %parallel_loop3A_265] {strides = array<i32>} : memref<80x128xf32, #tpu.memory_space<vmem>>, vector<1x16xf32>,
        %parallel_loop3A_267 = vector.shape_cast %parallel_loop3A_266 : vector<1x16xf32> to vector<16xf32>
        %parallel_loop3A_268 = arith.mulf %parallel_loop3A_267, %get3A_31 : vector<16xf32>
        %parallel_loop3A_269 = arith.index_cast %parallel_loop3A_223 : i32 to index
        %parallel_loop3A_270 = arith.constant 64 : index
        %parallel_loop3A_271 = tpu.vector_load %arg13[%parallel_loop3A_269, %parallel_loop3A_270] {strides = array<i32>} : memref<80x128xf32, #tpu.memory_space<vmem>>, vector<1x16xf32>,
        %parallel_loop3A_272 = vector.shape_cast %parallel_loop3A_271 : vector<1x16xf32> to vector<16xf32>
        %parallel_loop3A_273 = vector.shape_cast %parallel_loop3A_268 : vector<16xf32> to vector<1x16xf32>
        tpu.vector_store %arg13[%parallel_loop3A_269, %parallel_loop3A_270], %parallel_loop3A_273 {strides = array<i32>} : memref<80x128xf32, #tpu.memory_space<vmem>>, vector<1x16xf32>,
        %parallel_loop3A_274 = arith.index_cast %parallel_loop3A_223 : i32 to index
        %parallel_loop3A_275 = arith.constant 80 : index
        %parallel_loop3A_276 = tpu.vector_load %arg8[%parallel_loop3A_274, %parallel_loop3A_275] {strides = array<i32>} : memref<80x128xf32, #tpu.memory_space<vmem>>, vector<1x16xf32>,
        %parallel_loop3A_277 = vector.shape_cast %parallel_loop3A_276 : vector<1x16xf32> to vector<16xf32>
        %parallel_loop3A_278 = arith.mulf %parallel_loop3A_277, %get3A_31 : vector<16xf32>
        %parallel_loop3A_279 = arith.index_cast %parallel_loop3A_223 : i32 to index
        %parallel_loop3A_280 = arith.constant 80 : index
        %parallel_loop3A_281 = tpu.vector_load %arg13[%parallel_loop3A_279, %parallel_loop3A_280] {strides = array<i32>} : memref<80x128xf32, #tpu.memory_space<vmem>>, vector<1x16xf32>,
        %parallel_loop3A_282 = vector.shape_cast %parallel_loop3A_281 : vector<1x16xf32> to vector<16xf32>
        %parallel_loop3A_283 = vector.shape_cast %parallel_loop3A_278 : vector<16xf32> to vector<1x16xf32>
        tpu.vector_store %arg13[%parallel_loop3A_279, %parallel_loop3A_280], %parallel_loop3A_283 {strides = array<i32>} : memref<80x128xf32, #tpu.memory_space<vmem>>, vector<1x16xf32>,
        %parallel_loop3A_284 = arith.index_cast %parallel_loop3A_223 : i32 to index
        %parallel_loop3A_285 = arith.constant 96 : index
        %parallel_loop3A_286 = tpu.vector_load %arg8[%parallel_loop3A_284, %parallel_loop3A_285] {strides = array<i32>} : memref<80x128xf32, #tpu.memory_space<vmem>>, vector<1x16xf32>,
        %parallel_loop3A_287 = vector.shape_cast %parallel_loop3A_286 : vector<1x16xf32> to vector<16xf32>
        %parallel_loop3A_288 = arith.mulf %parallel_loop3A_287, %get3A_31 : vector<16xf32>
        %parallel_loop3A_289 = arith.index_cast %parallel_loop3A_223 : i32 to index
        %parallel_loop3A_290 = arith.constant 96 : index
        %parallel_loop3A_291 = tpu.vector_load %arg13[%parallel_loop3A_289, %parallel_loop3A_290] {strides = array<i32>} : memref<80x128xf32, #tpu.memory_space<vmem>>, vector<1x16xf32>,
        %parallel_loop3A_292 = vector.shape_cast %parallel_loop3A_291 : vector<1x16xf32> to vector<16xf32>
        %parallel_loop3A_293 = vector.shape_cast %parallel_loop3A_288 : vector<16xf32> to vector<1x16xf32>
        tpu.vector_store %arg13[%parallel_loop3A_289, %parallel_loop3A_290], %parallel_loop3A_293 {strides = array<i32>} : memref<80x128xf32, #tpu.memory_space<vmem>>, vector<1x16xf32>,
        %parallel_loop3A_294 = arith.index_cast %parallel_loop3A_223 : i32 to index
        %parallel_loop3A_295 = arith.constant 112 : index
        %parallel_loop3A_296 = tpu.vector_load %arg8[%parallel_loop3A_294, %parallel_loop3A_295] {strides = array<i32>} : memref<80x128xf32, #tpu.memory_space<vmem>>, vector<1x16xf32>,
        %parallel_loop3A_297 = vector.shape_cast %parallel_loop3A_296 : vector<1x16xf32> to vector<16xf32>
        %parallel_loop3A_298 = arith.mulf %parallel_loop3A_297, %get3A_31 : vector<16xf32>
        %parallel_loop3A_299 = arith.index_cast %parallel_loop3A_223 : i32 to index
        %parallel_loop3A_300 = arith.constant 112 : index
        %parallel_loop3A_301 = tpu.vector_load %arg13[%parallel_loop3A_299, %parallel_loop3A_300] {strides = array<i32>} : memref<80x128xf32, #tpu.memory_space<vmem>>, vector<1x16xf32>,
        %parallel_loop3A_302 = vector.shape_cast %parallel_loop3A_301 : vector<1x16xf32> to vector<16xf32>
        %parallel_loop3A_303 = vector.shape_cast %parallel_loop3A_298 : vector<16xf32> to vector<1x16xf32>
        tpu.vector_store %arg13[%parallel_loop3A_299, %parallel_loop3A_300], %parallel_loop3A_303 {strides = array<i32>} : memref<80x128xf32, #tpu.memory_space<vmem>>, vector<1x16xf32>,
      } {sc.loop_unroll_factor = 4 : i64, sc.parallel_access}
      %mul3A_113 = arith.constant 80 : i32
      %mul3A_114 = arith.muli %add3A_98, %mul3A_113 : i32
      %add3A_115 = arith.addi %mul3A_2, %mul3A_114 : i32
      %dma_start3A_116 = arith.constant 0 : i32
      %dma_start3A_117 = tpu.memref_slice %arg5[%add3A_115, %dma_start3A_116] : memref<204800x128xf32, #tpu.memory_space<hbm>> -> memref<80x128xf32, #tpu.memory_space<hbm>>
      %dma_start3A_118 = arith.constant 0 : i32
      %dma_start3A_119 = tpu.memref_slice %arg5[%add3A_115, %dma_start3A_118] : memref<204800x128xf32, #tpu.memory_space<hbm>> -> memref<80x128xf32, #tpu.memory_space<hbm>>
      tpu.enqueue_dma source(%arg13 : memref<80x128xf32, #tpu.memory_space<vmem>>) target(%dma_start3A_119 : memref<80x128xf32, #tpu.memory_space<hbm>>) target_semaphore(%arg24 : memref<!tpu.dma_semaphore, #tpu.memory_space<semaphore_mem>>)
      %add3A_120 = arith.constant 1 : i32
      %add3A_121 = arith.addi %scan3A_67, %add3A_120 : i32
      %lt3A_122 = arith.constant 16 : i32
      %lt3A_123 = arith.cmpi slt, %add3A_121, %lt3A_122 : i32
      %convert_element_type3A_124 = arith.extui %lt3A_123 : i1 to i32
      %cond3A_125 = arith.constant 0 : i32
      %cond3A_126 = arith.cmpi ne, %convert_element_type3A_124, %cond3A_125 : i32
      scf.if %cond3A_126 {
        %add3A_223 = arith.constant 5 : i32
        %add3A_224 = arith.addi %add3A_98, %add3A_223 : i32
        %mul3A_225 = arith.constant 80 : i32
        %mul3A_226 = arith.muli %add3A_224, %mul3A_225 : i32
        %dma_start3A_227 = tpu.memref_slice %arg6[%mul3A_226] : memref<6400xi32, #tpu.memory_space<vmem>> -> memref<80xi32, #tpu.memory_space<vmem>>
        %dma_start3A_228 = arith.constant 0 : i32
        %dma_start3A_229 = arith.constant 0 : i32
        %dma_start3A_230 = tpu.memref_slice %arg3[%dma_start3A_228, %dma_start3A_229] : memref<100000x128xf32, #tpu.memory_space<hbm>> -> memref<100000x128xf32, #tpu.memory_space<hbm>>
        tpu.enqueue_indirect_dma source(%dma_start3A_230 : memref<100000x128xf32, #tpu.memory_space<hbm>>) target(%arg8 : memref<80x128xf32, #tpu.memory_space<vmem>>) offsets(%dma_start3A_227 : memref<80xi32, #tpu.memory_space<vmem>>) semaphore(%arg19 : memref<!tpu.dma_semaphore, #tpu.memory_space<semaphore_mem>>)
      } else {
      }
      %mul3A_127 = arith.constant 5 : i32
      %mul3A_128 = arith.muli %mul3A_127, %scan3A_67 : i32
      %add3A_129 = arith.constant 2 : i32
      %add3A_130 = arith.addi %mul3A_128, %add3A_129 : i32
      %dma_wait3A_131 = arith.constant 0 : i32
      %dma_wait3A_132 = arith.constant 0 : i32
      %dma_wait3A_133 = tpu.memref_slice %arg3[%dma_wait3A_131, %dma_wait3A_132] : memref<100000x128xf32, #tpu.memory_space<hbm>> -> memref<80x128xf32, #tpu.memory_space<hbm>>
      %dma_wait3A_134 = arith.constant 0 : i32
      %dma_wait3A_135 = arith.constant 0 : i32
      %dma_wait3A_136 = tpu.memref_slice %arg3[%dma_wait3A_134, %dma_wait3A_135] : memref<100000x128xf32, #tpu.memory_space<hbm>> -> memref<80x128xf32, #tpu.memory_space<hbm>>
      tpu.wait_dma2 semaphore(%arg20 : memref<!tpu.dma_semaphore, #tpu.memory_space<semaphore_mem>>) src(%dma_wait3A_136 : memref<80x128xf32, #tpu.memory_space<hbm>>) dst(%arg9 : memref<80x128xf32, #tpu.memory_space<vmem>>)
      %gt3A_137 = arith.constant 0 : i32
      %gt3A_138 = arith.cmpi sgt, %scan3A_67, %gt3A_137 : i32
      %convert_element_type3A_139 = arith.extui %gt3A_138 : i1 to i32
      %cond3A_140 = arith.constant 0 : i32
      %cond3A_141 = arith.cmpi ne, %convert_element_type3A_139, %cond3A_140 : i32
      scf.if %cond3A_141 {
        %dma_wait3A_223 = arith.constant 0 : i32
        %dma_wait3A_224 = arith.constant 0 : i32
        %dma_wait3A_225 = tpu.memref_slice %arg5[%dma_wait3A_223, %dma_wait3A_224] : memref<204800x128xf32, #tpu.memory_space<hbm>> -> memref<80x128xf32, #tpu.memory_space<hbm>>
        %dma_wait3A_226 = arith.constant 0 : i32
        %dma_wait3A_227 = arith.constant 0 : i32
        %dma_wait3A_228 = tpu.memref_slice %arg5[%dma_wait3A_226, %dma_wait3A_227] : memref<204800x128xf32, #tpu.memory_space<hbm>> -> memref<80x128xf32, #tpu.memory_space<hbm>>
        tpu.wait_dma2 semaphore(%arg25 : memref<!tpu.dma_semaphore, #tpu.memory_space<semaphore_mem>>) src(%arg14 : memref<80x128xf32, #tpu.memory_space<vmem>>) dst(%dma_wait3A_228 : memref<80x128xf32, #tpu.memory_space<hbm>>)
      } else {
      }
      %parallel_loop3A_142 = arith.constant 0 : i32
      %parallel_loop3A_143 = arith.constant 80 : i32
      %parallel_loop3A_144 = arith.constant 1 : i32
      scf.for %parallel_loop3A_223 = %parallel_loop3A_142 to %parallel_loop3A_143 step %parallel_loop3A_144  : i32 {
        %parallel_loop3A_224 = arith.index_cast %parallel_loop3A_223 : i32 to index
        %parallel_loop3A_225 = arith.constant 0 : index
        %parallel_loop3A_226 = tpu.vector_load %arg9[%parallel_loop3A_224, %parallel_loop3A_225] {strides = array<i32>} : memref<80x128xf32, #tpu.memory_space<vmem>>, vector<1x16xf32>,
        %parallel_loop3A_227 = vector.shape_cast %parallel_loop3A_226 : vector<1x16xf32> to vector<16xf32>
        %parallel_loop3A_228 = arith.mulf %parallel_loop3A_227, %get3A_31 : vector<16xf32>
        %parallel_loop3A_229 = arith.index_cast %parallel_loop3A_223 : i32 to index
        %parallel_loop3A_230 = arith.constant 0 : index
        %parallel_loop3A_231 = tpu.vector_load %arg14[%parallel_loop3A_229, %parallel_loop3A_230] {strides = array<i32>} : memref<80x128xf32, #tpu.memory_space<vmem>>, vector<1x16xf32>,
        %parallel_loop3A_232 = vector.shape_cast %parallel_loop3A_231 : vector<1x16xf32> to vector<16xf32>
        %parallel_loop3A_233 = vector.shape_cast %parallel_loop3A_228 : vector<16xf32> to vector<1x16xf32>
        tpu.vector_store %arg14[%parallel_loop3A_229, %parallel_loop3A_230], %parallel_loop3A_233 {strides = array<i32>} : memref<80x128xf32, #tpu.memory_space<vmem>>, vector<1x16xf32>,
        %parallel_loop3A_234 = arith.index_cast %parallel_loop3A_223 : i32 to index
        %parallel_loop3A_235 = arith.constant 16 : index
        %parallel_loop3A_236 = tpu.vector_load %arg9[%parallel_loop3A_234, %parallel_loop3A_235] {strides = array<i32>} : memref<80x128xf32, #tpu.memory_space<vmem>>, vector<1x16xf32>,
        %parallel_loop3A_237 = vector.shape_cast %parallel_loop3A_236 : vector<1x16xf32> to vector<16xf32>
        %parallel_loop3A_238 = arith.mulf %parallel_loop3A_237, %get3A_31 : vector<16xf32>
        %parallel_loop3A_239 = arith.index_cast %parallel_loop3A_223 : i32 to index
        %parallel_loop3A_240 = arith.constant 16 : index
        %parallel_loop3A_241 = tpu.vector_load %arg14[%parallel_loop3A_239, %parallel_loop3A_240] {strides = array<i32>} : memref<80x128xf32, #tpu.memory_space<vmem>>, vector<1x16xf32>,
        %parallel_loop3A_242 = vector.shape_cast %parallel_loop3A_241 : vector<1x16xf32> to vector<16xf32>
        %parallel_loop3A_243 = vector.shape_cast %parallel_loop3A_238 : vector<16xf32> to vector<1x16xf32>
        tpu.vector_store %arg14[%parallel_loop3A_239, %parallel_loop3A_240], %parallel_loop3A_243 {strides = array<i32>} : memref<80x128xf32, #tpu.memory_space<vmem>>, vector<1x16xf32>,
        %parallel_loop3A_244 = arith.index_cast %parallel_loop3A_223 : i32 to index
        %parallel_loop3A_245 = arith.constant 32 : index
        %parallel_loop3A_246 = tpu.vector_load %arg9[%parallel_loop3A_244, %parallel_loop3A_245] {strides = array<i32>} : memref<80x128xf32, #tpu.memory_space<vmem>>, vector<1x16xf32>,
        %parallel_loop3A_247 = vector.shape_cast %parallel_loop3A_246 : vector<1x16xf32> to vector<16xf32>
        %parallel_loop3A_248 = arith.mulf %parallel_loop3A_247, %get3A_31 : vector<16xf32>
        %parallel_loop3A_249 = arith.index_cast %parallel_loop3A_223 : i32 to index
        %parallel_loop3A_250 = arith.constant 32 : index
        %parallel_loop3A_251 = tpu.vector_load %arg14[%parallel_loop3A_249, %parallel_loop3A_250] {strides = array<i32>} : memref<80x128xf32, #tpu.memory_space<vmem>>, vector<1x16xf32>,
        %parallel_loop3A_252 = vector.shape_cast %parallel_loop3A_251 : vector<1x16xf32> to vector<16xf32>
        %parallel_loop3A_253 = vector.shape_cast %parallel_loop3A_248 : vector<16xf32> to vector<1x16xf32>
        tpu.vector_store %arg14[%parallel_loop3A_249, %parallel_loop3A_250], %parallel_loop3A_253 {strides = array<i32>} : memref<80x128xf32, #tpu.memory_space<vmem>>, vector<1x16xf32>,
        %parallel_loop3A_254 = arith.index_cast %parallel_loop3A_223 : i32 to index
        %parallel_loop3A_255 = arith.constant 48 : index
        %parallel_loop3A_256 = tpu.vector_load %arg9[%parallel_loop3A_254, %parallel_loop3A_255] {strides = array<i32>} : memref<80x128xf32, #tpu.memory_space<vmem>>, vector<1x16xf32>,
        %parallel_loop3A_257 = vector.shape_cast %parallel_loop3A_256 : vector<1x16xf32> to vector<16xf32>
        %parallel_loop3A_258 = arith.mulf %parallel_loop3A_257, %get3A_31 : vector<16xf32>
        %parallel_loop3A_259 = arith.index_cast %parallel_loop3A_223 : i32 to index
        %parallel_loop3A_260 = arith.constant 48 : index
        %parallel_loop3A_261 = tpu.vector_load %arg14[%parallel_loop3A_259, %parallel_loop3A_260] {strides = array<i32>} : memref<80x128xf32, #tpu.memory_space<vmem>>, vector<1x16xf32>,
        %parallel_loop3A_262 = vector.shape_cast %parallel_loop3A_261 : vector<1x16xf32> to vector<16xf32>
        %parallel_loop3A_263 = vector.shape_cast %parallel_loop3A_258 : vector<16xf32> to vector<1x16xf32>
        tpu.vector_store %arg14[%parallel_loop3A_259, %parallel_loop3A_260], %parallel_loop3A_263 {strides = array<i32>} : memref<80x128xf32, #tpu.memory_space<vmem>>, vector<1x16xf32>,
        %parallel_loop3A_264 = arith.index_cast %parallel_loop3A_223 : i32 to index
        %parallel_loop3A_265 = arith.constant 64 : index
        %parallel_loop3A_266 = tpu.vector_load %arg9[%parallel_loop3A_264, %parallel_loop3A_265] {strides = array<i32>} : memref<80x128xf32, #tpu.memory_space<vmem>>, vector<1x16xf32>,
        %parallel_loop3A_267 = vector.shape_cast %parallel_loop3A_266 : vector<1x16xf32> to vector<16xf32>
        %parallel_loop3A_268 = arith.mulf %parallel_loop3A_267, %get3A_31 : vector<16xf32>
        %parallel_loop3A_269 = arith.index_cast %parallel_loop3A_223 : i32 to index
        %parallel_loop3A_270 = arith.constant 64 : index
        %parallel_loop3A_271 = tpu.vector_load %arg14[%parallel_loop3A_269, %parallel_loop3A_270] {strides = array<i32>} : memref<80x128xf32, #tpu.memory_space<vmem>>, vector<1x16xf32>,
        %parallel_loop3A_272 = vector.shape_cast %parallel_loop3A_271 : vector<1x16xf32> to vector<16xf32>
        %parallel_loop3A_273 = vector.shape_cast %parallel_loop3A_268 : vector<16xf32> to vector<1x16xf32>
        tpu.vector_store %arg14[%parallel_loop3A_269, %parallel_loop3A_270], %parallel_loop3A_273 {strides = array<i32>} : memref<80x128xf32, #tpu.memory_space<vmem>>, vector<1x16xf32>,
        %parallel_loop3A_274 = arith.index_cast %parallel_loop3A_223 : i32 to index
        %parallel_loop3A_275 = arith.constant 80 : index
        %parallel_loop3A_276 = tpu.vector_load %arg9[%parallel_loop3A_274, %parallel_loop3A_275] {strides = array<i32>} : memref<80x128xf32, #tpu.memory_space<vmem>>, vector<1x16xf32>,
        %parallel_loop3A_277 = vector.shape_cast %parallel_loop3A_276 : vector<1x16xf32> to vector<16xf32>
        %parallel_loop3A_278 = arith.mulf %parallel_loop3A_277, %get3A_31 : vector<16xf32>
        %parallel_loop3A_279 = arith.index_cast %parallel_loop3A_223 : i32 to index
        %parallel_loop3A_280 = arith.constant 80 : index
        %parallel_loop3A_281 = tpu.vector_load %arg14[%parallel_loop3A_279, %parallel_loop3A_280] {strides = array<i32>} : memref<80x128xf32, #tpu.memory_space<vmem>>, vector<1x16xf32>,
        %parallel_loop3A_282 = vector.shape_cast %parallel_loop3A_281 : vector<1x16xf32> to vector<16xf32>
        %parallel_loop3A_283 = vector.shape_cast %parallel_loop3A_278 : vector<16xf32> to vector<1x16xf32>
        tpu.vector_store %arg14[%parallel_loop3A_279, %parallel_loop3A_280], %parallel_loop3A_283 {strides = array<i32>} : memref<80x128xf32, #tpu.memory_space<vmem>>, vector<1x16xf32>,
        %parallel_loop3A_284 = arith.index_cast %parallel_loop3A_223 : i32 to index
        %parallel_loop3A_285 = arith.constant 96 : index
        %parallel_loop3A_286 = tpu.vector_load %arg9[%parallel_loop3A_284, %parallel_loop3A_285] {strides = array<i32>} : memref<80x128xf32, #tpu.memory_space<vmem>>, vector<1x16xf32>,
        %parallel_loop3A_287 = vector.shape_cast %parallel_loop3A_286 : vector<1x16xf32> to vector<16xf32>
        %parallel_loop3A_288 = arith.mulf %parallel_loop3A_287, %get3A_31 : vector<16xf32>
        %parallel_loop3A_289 = arith.index_cast %parallel_loop3A_223 : i32 to index
        %parallel_loop3A_290 = arith.constant 96 : index
        %parallel_loop3A_291 = tpu.vector_load %arg14[%parallel_loop3A_289, %parallel_loop3A_290] {strides = array<i32>} : memref<80x128xf32, #tpu.memory_space<vmem>>, vector<1x16xf32>,
        %parallel_loop3A_292 = vector.shape_cast %parallel_loop3A_291 : vector<1x16xf32> to vector<16xf32>
        %parallel_loop3A_293 = vector.shape_cast %parallel_loop3A_288 : vector<16xf32> to vector<1x16xf32>
        tpu.vector_store %arg14[%parallel_loop3A_289, %parallel_loop3A_290], %parallel_loop3A_293 {strides = array<i32>} : memref<80x128xf32, #tpu.memory_space<vmem>>, vector<1x16xf32>,
        %parallel_loop3A_294 = arith.index_cast %parallel_loop3A_223 : i32 to index
        %parallel_loop3A_295 = arith.constant 112 : index
        %parallel_loop3A_296 = tpu.vector_load %arg9[%parallel_loop3A_294, %parallel_loop3A_295] {strides = array<i32>} : memref<80x128xf32, #tpu.memory_space<vmem>>, vector<1x16xf32>,
        %parallel_loop3A_297 = vector.shape_cast %parallel_loop3A_296 : vector<1x16xf32> to vector<16xf32>
        %parallel_loop3A_298 = arith.mulf %parallel_loop3A_297, %get3A_31 : vector<16xf32>
        %parallel_loop3A_299 = arith.index_cast %parallel_loop3A_223 : i32 to index
        %parallel_loop3A_300 = arith.constant 112 : index
        %parallel_loop3A_301 = tpu.vector_load %arg14[%parallel_loop3A_299, %parallel_loop3A_300] {strides = array<i32>} : memref<80x128xf32, #tpu.memory_space<vmem>>, vector<1x16xf32>,
        %parallel_loop3A_302 = vector.shape_cast %parallel_loop3A_301 : vector<1x16xf32> to vector<16xf32>
        %parallel_loop3A_303 = vector.shape_cast %parallel_loop3A_298 : vector<16xf32> to vector<1x16xf32>
        tpu.vector_store %arg14[%parallel_loop3A_299, %parallel_loop3A_300], %parallel_loop3A_303 {strides = array<i32>} : memref<80x128xf32, #tpu.memory_space<vmem>>, vector<1x16xf32>,
      } {sc.loop_unroll_factor = 4 : i64, sc.parallel_access}
      %mul3A_145 = arith.constant 80 : i32
      %mul3A_146 = arith.muli %add3A_130, %mul3A_145 : i32
      %add3A_147 = arith.addi %mul3A_2, %mul3A_146 : i32
      %dma_start3A_148 = arith.constant 0 : i32
      %dma_start3A_149 = tpu.memref_slice %arg5[%add3A_147, %dma_start3A_148] : memref<204800x128xf32, #tpu.memory_space<hbm>> -> memref<80x128xf32, #tpu.memory_space<hbm>>
      %dma_start3A_150 = arith.constant 0 : i32
      %dma_start3A_151 = tpu.memref_slice %arg5[%add3A_147, %dma_start3A_150] : memref<204800x128xf32, #tpu.memory_space<hbm>> -> memref<80x128xf32, #tpu.memory_space<hbm>>
      tpu.enqueue_dma source(%arg14 : memref<80x128xf32, #tpu.memory_space<vmem>>) target(%dma_start3A_151 : memref<80x128xf32, #tpu.memory_space<hbm>>) target_semaphore(%arg25 : memref<!tpu.dma_semaphore, #tpu.memory_space<semaphore_mem>>)
      %add3A_152 = arith.constant 1 : i32
      %add3A_153 = arith.addi %scan3A_67, %add3A_152 : i32
      %lt3A_154 = arith.constant 16 : i32
      %lt3A_155 = arith.cmpi slt, %add3A_153, %lt3A_154 : i32
      %convert_element_type3A_156 = arith.extui %lt3A_155 : i1 to i32
      %cond3A_157 = arith.constant 0 : i32
      %cond3A_158 = arith.cmpi ne, %convert_element_type3A_156, %cond3A_157 : i32
      scf.if %cond3A_158 {
        %add3A_223 = arith.constant 5 : i32
        %add3A_224 = arith.addi %add3A_130, %add3A_223 : i32
        %mul3A_225 = arith.constant 80 : i32
        %mul3A_226 = arith.muli %add3A_224, %mul3A_225 : i32
        %dma_start3A_227 = tpu.memref_slice %arg6[%mul3A_226] : memref<6400xi32, #tpu.memory_space<vmem>> -> memref<80xi32, #tpu.memory_space<vmem>>
        %dma_start3A_228 = arith.constant 0 : i32
        %dma_start3A_229 = arith.constant 0 : i32
        %dma_start3A_230 = tpu.memref_slice %arg3[%dma_start3A_228, %dma_start3A_229] : memref<100000x128xf32, #tpu.memory_space<hbm>> -> memref<100000x128xf32, #tpu.memory_space<hbm>>
        tpu.enqueue_indirect_dma source(%dma_start3A_230 : memref<100000x128xf32, #tpu.memory_space<hbm>>) target(%arg9 : memref<80x128xf32, #tpu.memory_space<vmem>>) offsets(%dma_start3A_227 : memref<80xi32, #tpu.memory_space<vmem>>) semaphore(%arg20 : memref<!tpu.dma_semaphore, #tpu.memory_space<semaphore_mem>>)
      } else {
      }
      %mul3A_159 = arith.constant 5 : i32
      %mul3A_160 = arith.muli %mul3A_159, %scan3A_67 : i32
      %add3A_161 = arith.constant 3 : i32
      %add3A_162 = arith.addi %mul3A_160, %add3A_161 : i32
      %dma_wait3A_163 = arith.constant 0 : i32
      %dma_wait3A_164 = arith.constant 0 : i32
      %dma_wait3A_165 = tpu.memref_slice %arg3[%dma_wait3A_163, %dma_wait3A_164] : memref<100000x128xf32, #tpu.memory_space<hbm>> -> memref<80x128xf32, #tpu.memory_space<hbm>>
      %dma_wait3A_166 = arith.constant 0 : i32
      %dma_wait3A_167 = arith.constant 0 : i32
      %dma_wait3A_168 = tpu.memref_slice %arg3[%dma_wait3A_166, %dma_wait3A_167] : memref<100000x128xf32, #tpu.memory_space<hbm>> -> memref<80x128xf32, #tpu.memory_space<hbm>>
      tpu.wait_dma2 semaphore(%arg21 : memref<!tpu.dma_semaphore, #tpu.memory_space<semaphore_mem>>) src(%dma_wait3A_168 : memref<80x128xf32, #tpu.memory_space<hbm>>) dst(%arg10 : memref<80x128xf32, #tpu.memory_space<vmem>>)
      %gt3A_169 = arith.constant 0 : i32
      %gt3A_170 = arith.cmpi sgt, %scan3A_67, %gt3A_169 : i32
      %convert_element_type3A_171 = arith.extui %gt3A_170 : i1 to i32
      %cond3A_172 = arith.constant 0 : i32
      %cond3A_173 = arith.cmpi ne, %convert_element_type3A_171, %cond3A_172 : i32
      scf.if %cond3A_173 {
        %dma_wait3A_223 = arith.constant 0 : i32
        %dma_wait3A_224 = arith.constant 0 : i32
        %dma_wait3A_225 = tpu.memref_slice %arg5[%dma_wait3A_223, %dma_wait3A_224] : memref<204800x128xf32, #tpu.memory_space<hbm>> -> memref<80x128xf32, #tpu.memory_space<hbm>>
        %dma_wait3A_226 = arith.constant 0 : i32
        %dma_wait3A_227 = arith.constant 0 : i32
        %dma_wait3A_228 = tpu.memref_slice %arg5[%dma_wait3A_226, %dma_wait3A_227] : memref<204800x128xf32, #tpu.memory_space<hbm>> -> memref<80x128xf32, #tpu.memory_space<hbm>>
        tpu.wait_dma2 semaphore(%arg26 : memref<!tpu.dma_semaphore, #tpu.memory_space<semaphore_mem>>) src(%arg15 : memref<80x128xf32, #tpu.memory_space<vmem>>) dst(%dma_wait3A_228 : memref<80x128xf32, #tpu.memory_space<hbm>>)
      } else {
      }
      %parallel_loop3A_174 = arith.constant 0 : i32
      %parallel_loop3A_175 = arith.constant 80 : i32
      %parallel_loop3A_176 = arith.constant 1 : i32
      scf.for %parallel_loop3A_223 = %parallel_loop3A_174 to %parallel_loop3A_175 step %parallel_loop3A_176  : i32 {
        %parallel_loop3A_224 = arith.index_cast %parallel_loop3A_223 : i32 to index
        %parallel_loop3A_225 = arith.constant 0 : index
        %parallel_loop3A_226 = tpu.vector_load %arg10[%parallel_loop3A_224, %parallel_loop3A_225] {strides = array<i32>} : memref<80x128xf32, #tpu.memory_space<vmem>>, vector<1x16xf32>,
        %parallel_loop3A_227 = vector.shape_cast %parallel_loop3A_226 : vector<1x16xf32> to vector<16xf32>
        %parallel_loop3A_228 = arith.mulf %parallel_loop3A_227, %get3A_31 : vector<16xf32>
        %parallel_loop3A_229 = arith.index_cast %parallel_loop3A_223 : i32 to index
        %parallel_loop3A_230 = arith.constant 0 : index
        %parallel_loop3A_231 = tpu.vector_load %arg15[%parallel_loop3A_229, %parallel_loop3A_230] {strides = array<i32>} : memref<80x128xf32, #tpu.memory_space<vmem>>, vector<1x16xf32>,
        %parallel_loop3A_232 = vector.shape_cast %parallel_loop3A_231 : vector<1x16xf32> to vector<16xf32>
        %parallel_loop3A_233 = vector.shape_cast %parallel_loop3A_228 : vector<16xf32> to vector<1x16xf32>
        tpu.vector_store %arg15[%parallel_loop3A_229, %parallel_loop3A_230], %parallel_loop3A_233 {strides = array<i32>} : memref<80x128xf32, #tpu.memory_space<vmem>>, vector<1x16xf32>,
        %parallel_loop3A_234 = arith.index_cast %parallel_loop3A_223 : i32 to index
        %parallel_loop3A_235 = arith.constant 16 : index
        %parallel_loop3A_236 = tpu.vector_load %arg10[%parallel_loop3A_234, %parallel_loop3A_235] {strides = array<i32>} : memref<80x128xf32, #tpu.memory_space<vmem>>, vector<1x16xf32>,
        %parallel_loop3A_237 = vector.shape_cast %parallel_loop3A_236 : vector<1x16xf32> to vector<16xf32>
        %parallel_loop3A_238 = arith.mulf %parallel_loop3A_237, %get3A_31 : vector<16xf32>
        %parallel_loop3A_239 = arith.index_cast %parallel_loop3A_223 : i32 to index
        %parallel_loop3A_240 = arith.constant 16 : index
        %parallel_loop3A_241 = tpu.vector_load %arg15[%parallel_loop3A_239, %parallel_loop3A_240] {strides = array<i32>} : memref<80x128xf32, #tpu.memory_space<vmem>>, vector<1x16xf32>,
        %parallel_loop3A_242 = vector.shape_cast %parallel_loop3A_241 : vector<1x16xf32> to vector<16xf32>
        %parallel_loop3A_243 = vector.shape_cast %parallel_loop3A_238 : vector<16xf32> to vector<1x16xf32>
        tpu.vector_store %arg15[%parallel_loop3A_239, %parallel_loop3A_240], %parallel_loop3A_243 {strides = array<i32>} : memref<80x128xf32, #tpu.memory_space<vmem>>, vector<1x16xf32>,
        %parallel_loop3A_244 = arith.index_cast %parallel_loop3A_223 : i32 to index
        %parallel_loop3A_245 = arith.constant 32 : index
        %parallel_loop3A_246 = tpu.vector_load %arg10[%parallel_loop3A_244, %parallel_loop3A_245] {strides = array<i32>} : memref<80x128xf32, #tpu.memory_space<vmem>>, vector<1x16xf32>,
        %parallel_loop3A_247 = vector.shape_cast %parallel_loop3A_246 : vector<1x16xf32> to vector<16xf32>
        %parallel_loop3A_248 = arith.mulf %parallel_loop3A_247, %get3A_31 : vector<16xf32>
        %parallel_loop3A_249 = arith.index_cast %parallel_loop3A_223 : i32 to index
        %parallel_loop3A_250 = arith.constant 32 : index
        %parallel_loop3A_251 = tpu.vector_load %arg15[%parallel_loop3A_249, %parallel_loop3A_250] {strides = array<i32>} : memref<80x128xf32, #tpu.memory_space<vmem>>, vector<1x16xf32>,
        %parallel_loop3A_252 = vector.shape_cast %parallel_loop3A_251 : vector<1x16xf32> to vector<16xf32>
        %parallel_loop3A_253 = vector.shape_cast %parallel_loop3A_248 : vector<16xf32> to vector<1x16xf32>
        tpu.vector_store %arg15[%parallel_loop3A_249, %parallel_loop3A_250], %parallel_loop3A_253 {strides = array<i32>} : memref<80x128xf32, #tpu.memory_space<vmem>>, vector<1x16xf32>,
        %parallel_loop3A_254 = arith.index_cast %parallel_loop3A_223 : i32 to index
        %parallel_loop3A_255 = arith.constant 48 : index
        %parallel_loop3A_256 = tpu.vector_load %arg10[%parallel_loop3A_254, %parallel_loop3A_255] {strides = array<i32>} : memref<80x128xf32, #tpu.memory_space<vmem>>, vector<1x16xf32>,
        %parallel_loop3A_257 = vector.shape_cast %parallel_loop3A_256 : vector<1x16xf32> to vector<16xf32>
        %parallel_loop3A_258 = arith.mulf %parallel_loop3A_257, %get3A_31 : vector<16xf32>
        %parallel_loop3A_259 = arith.index_cast %parallel_loop3A_223 : i32 to index
        %parallel_loop3A_260 = arith.constant 48 : index
        %parallel_loop3A_261 = tpu.vector_load %arg15[%parallel_loop3A_259, %parallel_loop3A_260] {strides = array<i32>} : memref<80x128xf32, #tpu.memory_space<vmem>>, vector<1x16xf32>,
        %parallel_loop3A_262 = vector.shape_cast %parallel_loop3A_261 : vector<1x16xf32> to vector<16xf32>
        %parallel_loop3A_263 = vector.shape_cast %parallel_loop3A_258 : vector<16xf32> to vector<1x16xf32>
        tpu.vector_store %arg15[%parallel_loop3A_259, %parallel_loop3A_260], %parallel_loop3A_263 {strides = array<i32>} : memref<80x128xf32, #tpu.memory_space<vmem>>, vector<1x16xf32>,
        %parallel_loop3A_264 = arith.index_cast %parallel_loop3A_223 : i32 to index
        %parallel_loop3A_265 = arith.constant 64 : index
        %parallel_loop3A_266 = tpu.vector_load %arg10[%parallel_loop3A_264, %parallel_loop3A_265] {strides = array<i32>} : memref<80x128xf32, #tpu.memory_space<vmem>>, vector<1x16xf32>,
        %parallel_loop3A_267 = vector.shape_cast %parallel_loop3A_266 : vector<1x16xf32> to vector<16xf32>
        %parallel_loop3A_268 = arith.mulf %parallel_loop3A_267, %get3A_31 : vector<16xf32>
        %parallel_loop3A_269 = arith.index_cast %parallel_loop3A_223 : i32 to index
        %parallel_loop3A_270 = arith.constant 64 : index
        %parallel_loop3A_271 = tpu.vector_load %arg15[%parallel_loop3A_269, %parallel_loop3A_270] {strides = array<i32>} : memref<80x128xf32, #tpu.memory_space<vmem>>, vector<1x16xf32>,
        %parallel_loop3A_272 = vector.shape_cast %parallel_loop3A_271 : vector<1x16xf32> to vector<16xf32>
        %parallel_loop3A_273 = vector.shape_cast %parallel_loop3A_268 : vector<16xf32> to vector<1x16xf32>
        tpu.vector_store %arg15[%parallel_loop3A_269, %parallel_loop3A_270], %parallel_loop3A_273 {strides = array<i32>} : memref<80x128xf32, #tpu.memory_space<vmem>>, vector<1x16xf32>,
        %parallel_loop3A_274 = arith.index_cast %parallel_loop3A_223 : i32 to index
        %parallel_loop3A_275 = arith.constant 80 : index
        %parallel_loop3A_276 = tpu.vector_load %arg10[%parallel_loop3A_274, %parallel_loop3A_275] {strides = array<i32>} : memref<80x128xf32, #tpu.memory_space<vmem>>, vector<1x16xf32>,
        %parallel_loop3A_277 = vector.shape_cast %parallel_loop3A_276 : vector<1x16xf32> to vector<16xf32>
        %parallel_loop3A_278 = arith.mulf %parallel_loop3A_277, %get3A_31 : vector<16xf32>
        %parallel_loop3A_279 = arith.index_cast %parallel_loop3A_223 : i32 to index
        %parallel_loop3A_280 = arith.constant 80 : index
        %parallel_loop3A_281 = tpu.vector_load %arg15[%parallel_loop3A_279, %parallel_loop3A_280] {strides = array<i32>} : memref<80x128xf32, #tpu.memory_space<vmem>>, vector<1x16xf32>,
        %parallel_loop3A_282 = vector.shape_cast %parallel_loop3A_281 : vector<1x16xf32> to vector<16xf32>
        %parallel_loop3A_283 = vector.shape_cast %parallel_loop3A_278 : vector<16xf32> to vector<1x16xf32>
        tpu.vector_store %arg15[%parallel_loop3A_279, %parallel_loop3A_280], %parallel_loop3A_283 {strides = array<i32>} : memref<80x128xf32, #tpu.memory_space<vmem>>, vector<1x16xf32>,
        %parallel_loop3A_284 = arith.index_cast %parallel_loop3A_223 : i32 to index
        %parallel_loop3A_285 = arith.constant 96 : index
        %parallel_loop3A_286 = tpu.vector_load %arg10[%parallel_loop3A_284, %parallel_loop3A_285] {strides = array<i32>} : memref<80x128xf32, #tpu.memory_space<vmem>>, vector<1x16xf32>,
        %parallel_loop3A_287 = vector.shape_cast %parallel_loop3A_286 : vector<1x16xf32> to vector<16xf32>
        %parallel_loop3A_288 = arith.mulf %parallel_loop3A_287, %get3A_31 : vector<16xf32>
        %parallel_loop3A_289 = arith.index_cast %parallel_loop3A_223 : i32 to index
        %parallel_loop3A_290 = arith.constant 96 : index
        %parallel_loop3A_291 = tpu.vector_load %arg15[%parallel_loop3A_289, %parallel_loop3A_290] {strides = array<i32>} : memref<80x128xf32, #tpu.memory_space<vmem>>, vector<1x16xf32>,
        %parallel_loop3A_292 = vector.shape_cast %parallel_loop3A_291 : vector<1x16xf32> to vector<16xf32>
        %parallel_loop3A_293 = vector.shape_cast %parallel_loop3A_288 : vector<16xf32> to vector<1x16xf32>
        tpu.vector_store %arg15[%parallel_loop3A_289, %parallel_loop3A_290], %parallel_loop3A_293 {strides = array<i32>} : memref<80x128xf32, #tpu.memory_space<vmem>>, vector<1x16xf32>,
        %parallel_loop3A_294 = arith.index_cast %parallel_loop3A_223 : i32 to index
        %parallel_loop3A_295 = arith.constant 112 : index
        %parallel_loop3A_296 = tpu.vector_load %arg10[%parallel_loop3A_294, %parallel_loop3A_295] {strides = array<i32>} : memref<80x128xf32, #tpu.memory_space<vmem>>, vector<1x16xf32>,
        %parallel_loop3A_297 = vector.shape_cast %parallel_loop3A_296 : vector<1x16xf32> to vector<16xf32>
        %parallel_loop3A_298 = arith.mulf %parallel_loop3A_297, %get3A_31 : vector<16xf32>
        %parallel_loop3A_299 = arith.index_cast %parallel_loop3A_223 : i32 to index
        %parallel_loop3A_300 = arith.constant 112 : index
        %parallel_loop3A_301 = tpu.vector_load %arg15[%parallel_loop3A_299, %parallel_loop3A_300] {strides = array<i32>} : memref<80x128xf32, #tpu.memory_space<vmem>>, vector<1x16xf32>,
        %parallel_loop3A_302 = vector.shape_cast %parallel_loop3A_301 : vector<1x16xf32> to vector<16xf32>
        %parallel_loop3A_303 = vector.shape_cast %parallel_loop3A_298 : vector<16xf32> to vector<1x16xf32>
        tpu.vector_store %arg15[%parallel_loop3A_299, %parallel_loop3A_300], %parallel_loop3A_303 {strides = array<i32>} : memref<80x128xf32, #tpu.memory_space<vmem>>, vector<1x16xf32>,
      } {sc.loop_unroll_factor = 4 : i64, sc.parallel_access}
      %mul3A_177 = arith.constant 80 : i32
      %mul3A_178 = arith.muli %add3A_162, %mul3A_177 : i32
      %add3A_179 = arith.addi %mul3A_2, %mul3A_178 : i32
      %dma_start3A_180 = arith.constant 0 : i32
      %dma_start3A_181 = tpu.memref_slice %arg5[%add3A_179, %dma_start3A_180] : memref<204800x128xf32, #tpu.memory_space<hbm>> -> memref<80x128xf32, #tpu.memory_space<hbm>>
      %dma_start3A_182 = arith.constant 0 : i32
      %dma_start3A_183 = tpu.memref_slice %arg5[%add3A_179, %dma_start3A_182] : memref<204800x128xf32, #tpu.memory_space<hbm>> -> memref<80x128xf32, #tpu.memory_space<hbm>>
      tpu.enqueue_dma source(%arg15 : memref<80x128xf32, #tpu.memory_space<vmem>>) target(%dma_start3A_183 : memref<80x128xf32, #tpu.memory_space<hbm>>) target_semaphore(%arg26 : memref<!tpu.dma_semaphore, #tpu.memory_space<semaphore_mem>>)
      %add3A_184 = arith.constant 1 : i32
      %add3A_185 = arith.addi %scan3A_67, %add3A_184 : i32
      %lt3A_186 = arith.constant 16 : i32
      %lt3A_187 = arith.cmpi slt, %add3A_185, %lt3A_186 : i32
      %convert_element_type3A_188 = arith.extui %lt3A_187 : i1 to i32
      %cond3A_189 = arith.constant 0 : i32
      %cond3A_190 = arith.cmpi ne, %convert_element_type3A_188, %cond3A_189 : i32
      scf.if %cond3A_190 {
        %add3A_223 = arith.constant 5 : i32
        %add3A_224 = arith.addi %add3A_162, %add3A_223 : i32
        %mul3A_225 = arith.constant 80 : i32
        %mul3A_226 = arith.muli %add3A_224, %mul3A_225 : i32
        %dma_start3A_227 = tpu.memref_slice %arg6[%mul3A_226] : memref<6400xi32, #tpu.memory_space<vmem>> -> memref<80xi32, #tpu.memory_space<vmem>>
        %dma_start3A_228 = arith.constant 0 : i32
        %dma_start3A_229 = arith.constant 0 : i32
        %dma_start3A_230 = tpu.memref_slice %arg3[%dma_start3A_228, %dma_start3A_229] : memref<100000x128xf32, #tpu.memory_space<hbm>> -> memref<100000x128xf32, #tpu.memory_space<hbm>>
        tpu.enqueue_indirect_dma source(%dma_start3A_230 : memref<100000x128xf32, #tpu.memory_space<hbm>>) target(%arg10 : memref<80x128xf32, #tpu.memory_space<vmem>>) offsets(%dma_start3A_227 : memref<80xi32, #tpu.memory_space<vmem>>) semaphore(%arg21 : memref<!tpu.dma_semaphore, #tpu.memory_space<semaphore_mem>>)
      } else {
      }
      %mul3A_191 = arith.constant 5 : i32
      %mul3A_192 = arith.muli %mul3A_191, %scan3A_67 : i32
      %add3A_193 = arith.constant 4 : i32
      %add3A_194 = arith.addi %mul3A_192, %add3A_193 : i32
      %dma_wait3A_195 = arith.constant 0 : i32
      %dma_wait3A_196 = arith.constant 0 : i32
      %dma_wait3A_197 = tpu.memref_slice %arg3[%dma_wait3A_195, %dma_wait3A_196] : memref<100000x128xf32, #tpu.memory_space<hbm>> -> memref<80x128xf32, #tpu.memory_space<hbm>>
      %dma_wait3A_198 = arith.constant 0 : i32
      %dma_wait3A_199 = arith.constant 0 : i32
      %dma_wait3A_200 = tpu.memref_slice %arg3[%dma_wait3A_198, %dma_wait3A_199] : memref<100000x128xf32, #tpu.memory_space<hbm>> -> memref<80x128xf32, #tpu.memory_space<hbm>>
      tpu.wait_dma2 semaphore(%arg22 : memref<!tpu.dma_semaphore, #tpu.memory_space<semaphore_mem>>) src(%dma_wait3A_200 : memref<80x128xf32, #tpu.memory_space<hbm>>) dst(%arg11 : memref<80x128xf32, #tpu.memory_space<vmem>>)
      %gt3A_201 = arith.constant 0 : i32
      %gt3A_202 = arith.cmpi sgt, %scan3A_67, %gt3A_201 : i32
      %convert_element_type3A_203 = arith.extui %gt3A_202 : i1 to i32
      %cond3A_204 = arith.constant 0 : i32
      %cond3A_205 = arith.cmpi ne, %convert_element_type3A_203, %cond3A_204 : i32
      scf.if %cond3A_205 {
        %dma_wait3A_223 = arith.constant 0 : i32
        %dma_wait3A_224 = arith.constant 0 : i32
        %dma_wait3A_225 = tpu.memref_slice %arg5[%dma_wait3A_223, %dma_wait3A_224] : memref<204800x128xf32, #tpu.memory_space<hbm>> -> memref<80x128xf32, #tpu.memory_space<hbm>>
        %dma_wait3A_226 = arith.constant 0 : i32
        %dma_wait3A_227 = arith.constant 0 : i32
        %dma_wait3A_228 = tpu.memref_slice %arg5[%dma_wait3A_226, %dma_wait3A_227] : memref<204800x128xf32, #tpu.memory_space<hbm>> -> memref<80x128xf32, #tpu.memory_space<hbm>>
        tpu.wait_dma2 semaphore(%arg27 : memref<!tpu.dma_semaphore, #tpu.memory_space<semaphore_mem>>) src(%arg16 : memref<80x128xf32, #tpu.memory_space<vmem>>) dst(%dma_wait3A_228 : memref<80x128xf32, #tpu.memory_space<hbm>>)
      } else {
      }
      %parallel_loop3A_206 = arith.constant 0 : i32
      %parallel_loop3A_207 = arith.constant 80 : i32
      %parallel_loop3A_208 = arith.constant 1 : i32
      scf.for %parallel_loop3A_223 = %parallel_loop3A_206 to %parallel_loop3A_207 step %parallel_loop3A_208  : i32 {
        %parallel_loop3A_224 = arith.index_cast %parallel_loop3A_223 : i32 to index
        %parallel_loop3A_225 = arith.constant 0 : index
        %parallel_loop3A_226 = tpu.vector_load %arg11[%parallel_loop3A_224, %parallel_loop3A_225] {strides = array<i32>} : memref<80x128xf32, #tpu.memory_space<vmem>>, vector<1x16xf32>,
        %parallel_loop3A_227 = vector.shape_cast %parallel_loop3A_226 : vector<1x16xf32> to vector<16xf32>
        %parallel_loop3A_228 = arith.mulf %parallel_loop3A_227, %get3A_31 : vector<16xf32>
        %parallel_loop3A_229 = arith.index_cast %parallel_loop3A_223 : i32 to index
        %parallel_loop3A_230 = arith.constant 0 : index
        %parallel_loop3A_231 = tpu.vector_load %arg16[%parallel_loop3A_229, %parallel_loop3A_230] {strides = array<i32>} : memref<80x128xf32, #tpu.memory_space<vmem>>, vector<1x16xf32>,
        %parallel_loop3A_232 = vector.shape_cast %parallel_loop3A_231 : vector<1x16xf32> to vector<16xf32>
        %parallel_loop3A_233 = vector.shape_cast %parallel_loop3A_228 : vector<16xf32> to vector<1x16xf32>
        tpu.vector_store %arg16[%parallel_loop3A_229, %parallel_loop3A_230], %parallel_loop3A_233 {strides = array<i32>} : memref<80x128xf32, #tpu.memory_space<vmem>>, vector<1x16xf32>,
        %parallel_loop3A_234 = arith.index_cast %parallel_loop3A_223 : i32 to index
        %parallel_loop3A_235 = arith.constant 16 : index
        %parallel_loop3A_236 = tpu.vector_load %arg11[%parallel_loop3A_234, %parallel_loop3A_235] {strides = array<i32>} : memref<80x128xf32, #tpu.memory_space<vmem>>, vector<1x16xf32>,
        %parallel_loop3A_237 = vector.shape_cast %parallel_loop3A_236 : vector<1x16xf32> to vector<16xf32>
        %parallel_loop3A_238 = arith.mulf %parallel_loop3A_237, %get3A_31 : vector<16xf32>
        %parallel_loop3A_239 = arith.index_cast %parallel_loop3A_223 : i32 to index
        %parallel_loop3A_240 = arith.constant 16 : index
        %parallel_loop3A_241 = tpu.vector_load %arg16[%parallel_loop3A_239, %parallel_loop3A_240] {strides = array<i32>} : memref<80x128xf32, #tpu.memory_space<vmem>>, vector<1x16xf32>,
        %parallel_loop3A_242 = vector.shape_cast %parallel_loop3A_241 : vector<1x16xf32> to vector<16xf32>
        %parallel_loop3A_243 = vector.shape_cast %parallel_loop3A_238 : vector<16xf32> to vector<1x16xf32>
        tpu.vector_store %arg16[%parallel_loop3A_239, %parallel_loop3A_240], %parallel_loop3A_243 {strides = array<i32>} : memref<80x128xf32, #tpu.memory_space<vmem>>, vector<1x16xf32>,
        %parallel_loop3A_244 = arith.index_cast %parallel_loop3A_223 : i32 to index
        %parallel_loop3A_245 = arith.constant 32 : index
        %parallel_loop3A_246 = tpu.vector_load %arg11[%parallel_loop3A_244, %parallel_loop3A_245] {strides = array<i32>} : memref<80x128xf32, #tpu.memory_space<vmem>>, vector<1x16xf32>,
        %parallel_loop3A_247 = vector.shape_cast %parallel_loop3A_246 : vector<1x16xf32> to vector<16xf32>
        %parallel_loop3A_248 = arith.mulf %parallel_loop3A_247, %get3A_31 : vector<16xf32>
        %parallel_loop3A_249 = arith.index_cast %parallel_loop3A_223 : i32 to index
        %parallel_loop3A_250 = arith.constant 32 : index
        %parallel_loop3A_251 = tpu.vector_load %arg16[%parallel_loop3A_249, %parallel_loop3A_250] {strides = array<i32>} : memref<80x128xf32, #tpu.memory_space<vmem>>, vector<1x16xf32>,
        %parallel_loop3A_252 = vector.shape_cast %parallel_loop3A_251 : vector<1x16xf32> to vector<16xf32>
        %parallel_loop3A_253 = vector.shape_cast %parallel_loop3A_248 : vector<16xf32> to vector<1x16xf32>
        tpu.vector_store %arg16[%parallel_loop3A_249, %parallel_loop3A_250], %parallel_loop3A_253 {strides = array<i32>} : memref<80x128xf32, #tpu.memory_space<vmem>>, vector<1x16xf32>,
        %parallel_loop3A_254 = arith.index_cast %parallel_loop3A_223 : i32 to index
        %parallel_loop3A_255 = arith.constant 48 : index
        %parallel_loop3A_256 = tpu.vector_load %arg11[%parallel_loop3A_254, %parallel_loop3A_255] {strides = array<i32>} : memref<80x128xf32, #tpu.memory_space<vmem>>, vector<1x16xf32>,
        %parallel_loop3A_257 = vector.shape_cast %parallel_loop3A_256 : vector<1x16xf32> to vector<16xf32>
        %parallel_loop3A_258 = arith.mulf %parallel_loop3A_257, %get3A_31 : vector<16xf32>
        %parallel_loop3A_259 = arith.index_cast %parallel_loop3A_223 : i32 to index
        %parallel_loop3A_260 = arith.constant 48 : index
        %parallel_loop3A_261 = tpu.vector_load %arg16[%parallel_loop3A_259, %parallel_loop3A_260] {strides = array<i32>} : memref<80x128xf32, #tpu.memory_space<vmem>>, vector<1x16xf32>,
        %parallel_loop3A_262 = vector.shape_cast %parallel_loop3A_261 : vector<1x16xf32> to vector<16xf32>
        %parallel_loop3A_263 = vector.shape_cast %parallel_loop3A_258 : vector<16xf32> to vector<1x16xf32>
        tpu.vector_store %arg16[%parallel_loop3A_259, %parallel_loop3A_260], %parallel_loop3A_263 {strides = array<i32>} : memref<80x128xf32, #tpu.memory_space<vmem>>, vector<1x16xf32>,
        %parallel_loop3A_264 = arith.index_cast %parallel_loop3A_223 : i32 to index
        %parallel_loop3A_265 = arith.constant 64 : index
        %parallel_loop3A_266 = tpu.vector_load %arg11[%parallel_loop3A_264, %parallel_loop3A_265] {strides = array<i32>} : memref<80x128xf32, #tpu.memory_space<vmem>>, vector<1x16xf32>,
        %parallel_loop3A_267 = vector.shape_cast %parallel_loop3A_266 : vector<1x16xf32> to vector<16xf32>
        %parallel_loop3A_268 = arith.mulf %parallel_loop3A_267, %get3A_31 : vector<16xf32>
        %parallel_loop3A_269 = arith.index_cast %parallel_loop3A_223 : i32 to index
        %parallel_loop3A_270 = arith.constant 64 : index
        %parallel_loop3A_271 = tpu.vector_load %arg16[%parallel_loop3A_269, %parallel_loop3A_270] {strides = array<i32>} : memref<80x128xf32, #tpu.memory_space<vmem>>, vector<1x16xf32>,
        %parallel_loop3A_272 = vector.shape_cast %parallel_loop3A_271 : vector<1x16xf32> to vector<16xf32>
        %parallel_loop3A_273 = vector.shape_cast %parallel_loop3A_268 : vector<16xf32> to vector<1x16xf32>
        tpu.vector_store %arg16[%parallel_loop3A_269, %parallel_loop3A_270], %parallel_loop3A_273 {strides = array<i32>} : memref<80x128xf32, #tpu.memory_space<vmem>>, vector<1x16xf32>,
        %parallel_loop3A_274 = arith.index_cast %parallel_loop3A_223 : i32 to index
        %parallel_loop3A_275 = arith.constant 80 : index
        %parallel_loop3A_276 = tpu.vector_load %arg11[%parallel_loop3A_274, %parallel_loop3A_275] {strides = array<i32>} : memref<80x128xf32, #tpu.memory_space<vmem>>, vector<1x16xf32>,
        %parallel_loop3A_277 = vector.shape_cast %parallel_loop3A_276 : vector<1x16xf32> to vector<16xf32>
        %parallel_loop3A_278 = arith.mulf %parallel_loop3A_277, %get3A_31 : vector<16xf32>
        %parallel_loop3A_279 = arith.index_cast %parallel_loop3A_223 : i32 to index
        %parallel_loop3A_280 = arith.constant 80 : index
        %parallel_loop3A_281 = tpu.vector_load %arg16[%parallel_loop3A_279, %parallel_loop3A_280] {strides = array<i32>} : memref<80x128xf32, #tpu.memory_space<vmem>>, vector<1x16xf32>,
        %parallel_loop3A_282 = vector.shape_cast %parallel_loop3A_281 : vector<1x16xf32> to vector<16xf32>
        %parallel_loop3A_283 = vector.shape_cast %parallel_loop3A_278 : vector<16xf32> to vector<1x16xf32>
        tpu.vector_store %arg16[%parallel_loop3A_279, %parallel_loop3A_280], %parallel_loop3A_283 {strides = array<i32>} : memref<80x128xf32, #tpu.memory_space<vmem>>, vector<1x16xf32>,
        %parallel_loop3A_284 = arith.index_cast %parallel_loop3A_223 : i32 to index
        %parallel_loop3A_285 = arith.constant 96 : index
        %parallel_loop3A_286 = tpu.vector_load %arg11[%parallel_loop3A_284, %parallel_loop3A_285] {strides = array<i32>} : memref<80x128xf32, #tpu.memory_space<vmem>>, vector<1x16xf32>,
        %parallel_loop3A_287 = vector.shape_cast %parallel_loop3A_286 : vector<1x16xf32> to vector<16xf32>
        %parallel_loop3A_288 = arith.mulf %parallel_loop3A_287, %get3A_31 : vector<16xf32>
        %parallel_loop3A_289 = arith.index_cast %parallel_loop3A_223 : i32 to index
        %parallel_loop3A_290 = arith.constant 96 : index
        %parallel_loop3A_291 = tpu.vector_load %arg16[%parallel_loop3A_289, %parallel_loop3A_290] {strides = array<i32>} : memref<80x128xf32, #tpu.memory_space<vmem>>, vector<1x16xf32>,
        %parallel_loop3A_292 = vector.shape_cast %parallel_loop3A_291 : vector<1x16xf32> to vector<16xf32>
        %parallel_loop3A_293 = vector.shape_cast %parallel_loop3A_288 : vector<16xf32> to vector<1x16xf32>
        tpu.vector_store %arg16[%parallel_loop3A_289, %parallel_loop3A_290], %parallel_loop3A_293 {strides = array<i32>} : memref<80x128xf32, #tpu.memory_space<vmem>>, vector<1x16xf32>,
        %parallel_loop3A_294 = arith.index_cast %parallel_loop3A_223 : i32 to index
        %parallel_loop3A_295 = arith.constant 112 : index
        %parallel_loop3A_296 = tpu.vector_load %arg11[%parallel_loop3A_294, %parallel_loop3A_295] {strides = array<i32>} : memref<80x128xf32, #tpu.memory_space<vmem>>, vector<1x16xf32>,
        %parallel_loop3A_297 = vector.shape_cast %parallel_loop3A_296 : vector<1x16xf32> to vector<16xf32>
        %parallel_loop3A_298 = arith.mulf %parallel_loop3A_297, %get3A_31 : vector<16xf32>
        %parallel_loop3A_299 = arith.index_cast %parallel_loop3A_223 : i32 to index
        %parallel_loop3A_300 = arith.constant 112 : index
        %parallel_loop3A_301 = tpu.vector_load %arg16[%parallel_loop3A_299, %parallel_loop3A_300] {strides = array<i32>} : memref<80x128xf32, #tpu.memory_space<vmem>>, vector<1x16xf32>,
        %parallel_loop3A_302 = vector.shape_cast %parallel_loop3A_301 : vector<1x16xf32> to vector<16xf32>
        %parallel_loop3A_303 = vector.shape_cast %parallel_loop3A_298 : vector<16xf32> to vector<1x16xf32>
        tpu.vector_store %arg16[%parallel_loop3A_299, %parallel_loop3A_300], %parallel_loop3A_303 {strides = array<i32>} : memref<80x128xf32, #tpu.memory_space<vmem>>, vector<1x16xf32>,
      } {sc.loop_unroll_factor = 4 : i64, sc.parallel_access}
      %mul3A_209 = arith.constant 80 : i32
      %mul3A_210 = arith.muli %add3A_194, %mul3A_209 : i32
      %add3A_211 = arith.addi %mul3A_2, %mul3A_210 : i32
      %dma_start3A_212 = arith.constant 0 : i32
      %dma_start3A_213 = tpu.memref_slice %arg5[%add3A_211, %dma_start3A_212] : memref<204800x128xf32, #tpu.memory_space<hbm>> -> memref<80x128xf32, #tpu.memory_space<hbm>>
      %dma_start3A_214 = arith.constant 0 : i32
      %dma_start3A_215 = tpu.memref_slice %arg5[%add3A_211, %dma_start3A_214] : memref<204800x128xf32, #tpu.memory_space<hbm>> -> memref<80x128xf32, #tpu.memory_space<hbm>>
      tpu.enqueue_dma source(%arg16 : memref<80x128xf32, #tpu.memory_space<vmem>>) target(%dma_start3A_215 : memref<80x128xf32, #tpu.memory_space<hbm>>) target_semaphore(%arg27 : memref<!tpu.dma_semaphore, #tpu.memory_space<semaphore_mem>>)
      %add3A_216 = arith.constant 1 : i32
      %add3A_217 = arith.addi %scan3A_67, %add3A_216 : i32
      %lt3A_218 = arith.constant 16 : i32
      %lt3A_219 = arith.cmpi slt, %add3A_217, %lt3A_218 : i32
      %convert_element_type3A_220 = arith.extui %lt3A_219 : i1 to i32
      %cond3A_221 = arith.constant 0 : i32
      %cond3A_222 = arith.cmpi ne, %convert_element_type3A_220, %cond3A_221 : i32
      scf.if %cond3A_222 {
        %add3A_223 = arith.constant 5 : i32
        %add3A_224 = arith.addi %add3A_194, %add3A_223 : i32
        %mul3A_225 = arith.constant 80 : i32
        %mul3A_226 = arith.muli %add3A_224, %mul3A_225 : i32
        %dma_start3A_227 = tpu.memref_slice %arg6[%mul3A_226] : memref<6400xi32, #tpu.memory_space<vmem>> -> memref<80xi32, #tpu.memory_space<vmem>>
        %dma_start3A_228 = arith.constant 0 : i32
        %dma_start3A_229 = arith.constant 0 : i32
        %dma_start3A_230 = tpu.memref_slice %arg3[%dma_start3A_228, %dma_start3A_229] : memref<100000x128xf32, #tpu.memory_space<hbm>> -> memref<100000x128xf32, #tpu.memory_space<hbm>>
        tpu.enqueue_indirect_dma source(%dma_start3A_230 : memref<100000x128xf32, #tpu.memory_space<hbm>>) target(%arg11 : memref<80x128xf32, #tpu.memory_space<vmem>>) offsets(%dma_start3A_227 : memref<80xi32, #tpu.memory_space<vmem>>) semaphore(%arg22 : memref<!tpu.dma_semaphore, #tpu.memory_space<semaphore_mem>>)
      } else {
      }
    }
    %scan3A_36 = arith.constant 16 : i32
    %dma_wait3A_37 = arith.constant 0 : i32
    %dma_wait3A_38 = arith.constant 0 : i32
    %dma_wait3A_39 = tpu.memref_slice %arg5[%dma_wait3A_37, %dma_wait3A_38] : memref<204800x128xf32, #tpu.memory_space<hbm>> -> memref<80x128xf32, #tpu.memory_space<hbm>>
    %dma_wait3A_40 = arith.constant 0 : i32
    %dma_wait3A_41 = arith.constant 0 : i32
    %dma_wait3A_42 = tpu.memref_slice %arg5[%dma_wait3A_40, %dma_wait3A_41] : memref<204800x128xf32, #tpu.memory_space<hbm>> -> memref<80x128xf32, #tpu.memory_space<hbm>>
    tpu.wait_dma2 semaphore(%arg23 : memref<!tpu.dma_semaphore, #tpu.memory_space<semaphore_mem>>) src(%arg12 : memref<80x128xf32, #tpu.memory_space<vmem>>) dst(%dma_wait3A_42 : memref<80x128xf32, #tpu.memory_space<hbm>>)
    %dma_wait3A_43 = arith.constant 0 : i32
    %dma_wait3A_44 = arith.constant 0 : i32
    %dma_wait3A_45 = tpu.memref_slice %arg5[%dma_wait3A_43, %dma_wait3A_44] : memref<204800x128xf32, #tpu.memory_space<hbm>> -> memref<80x128xf32, #tpu.memory_space<hbm>>
    %dma_wait3A_46 = arith.constant 0 : i32
    %dma_wait3A_47 = arith.constant 0 : i32
    %dma_wait3A_48 = tpu.memref_slice %arg5[%dma_wait3A_46, %dma_wait3A_47] : memref<204800x128xf32, #tpu.memory_space<hbm>> -> memref<80x128xf32, #tpu.memory_space<hbm>>
    tpu.wait_dma2 semaphore(%arg24 : memref<!tpu.dma_semaphore, #tpu.memory_space<semaphore_mem>>) src(%arg13 : memref<80x128xf32, #tpu.memory_space<vmem>>) dst(%dma_wait3A_48 : memref<80x128xf32, #tpu.memory_space<hbm>>)
    %dma_wait3A_49 = arith.constant 0 : i32
    %dma_wait3A_50 = arith.constant 0 : i32
    %dma_wait3A_51 = tpu.memref_slice %arg5[%dma_wait3A_49, %dma_wait3A_50] : memref<204800x128xf32, #tpu.memory_space<hbm>> -> memref<80x128xf32, #tpu.memory_space<hbm>>
    %dma_wait3A_52 = arith.constant 0 : i32
    %dma_wait3A_53 = arith.constant 0 : i32
    %dma_wait3A_54 = tpu.memref_slice %arg5[%dma_wait3A_52, %dma_wait3A_53] : memref<204800x128xf32, #tpu.memory_space<hbm>> -> memref<80x128xf32, #tpu.memory_space<hbm>>
    tpu.wait_dma2 semaphore(%arg25 : memref<!tpu.dma_semaphore, #tpu.memory_space<semaphore_mem>>) src(%arg14 : memref<80x128xf32, #tpu.memory_space<vmem>>) dst(%dma_wait3A_54 : memref<80x128xf32, #tpu.memory_space<hbm>>)
    %dma_wait3A_55 = arith.constant 0 : i32
    %dma_wait3A_56 = arith.constant 0 : i32
    %dma_wait3A_57 = tpu.memref_slice %arg5[%dma_wait3A_55, %dma_wait3A_56] : memref<204800x128xf32, #tpu.memory_space<hbm>> -> memref<80x128xf32, #tpu.memory_space<hbm>>
    %dma_wait3A_58 = arith.constant 0 : i32
    %dma_wait3A_59 = arith.constant 0 : i32
    %dma_wait3A_60 = tpu.memref_slice %arg5[%dma_wait3A_58, %dma_wait3A_59] : memref<204800x128xf32, #tpu.memory_space<hbm>> -> memref<80x128xf32, #tpu.memory_space<hbm>>
    tpu.wait_dma2 semaphore(%arg26 : memref<!tpu.dma_semaphore, #tpu.memory_space<semaphore_mem>>) src(%arg15 : memref<80x128xf32, #tpu.memory_space<vmem>>) dst(%dma_wait3A_60 : memref<80x128xf32, #tpu.memory_space<hbm>>)
    %dma_wait3A_61 = arith.constant 0 : i32
    %dma_wait3A_62 = arith.constant 0 : i32
    %dma_wait3A_63 = tpu.memref_slice %arg5[%dma_wait3A_61, %dma_wait3A_62] : memref<204800x128xf32, #tpu.memory_space<hbm>> -> memref<80x128xf32, #tpu.memory_space<hbm>>
    %dma_wait3A_64 = arith.constant 0 : i32
    %dma_wait3A_65 = arith.constant 0 : i32
    %dma_wait3A_66 = tpu.memref_slice %arg5[%dma_wait3A_64, %dma_wait3A_65] : memref<204800x128xf32, #tpu.memory_space<hbm>> -> memref<80x128xf32, #tpu.memory_space<hbm>>
    tpu.wait_dma2 semaphore(%arg27 : memref<!tpu.dma_semaphore, #tpu.memory_space<semaphore_mem>>) src(%arg16 : memref<80x128xf32, #tpu.memory_space<vmem>>) dst(%dma_wait3A_66 : memref<80x128xf32, #tpu.memory_space<hbm>>)
    return
  }
}

</mosaic_0001>

<sc_bundles>
// kernel: kernel.3.cloned.1.call-start
scs
__scs_entry_jumppad:
0x0: {  	(pc) =	sbr.rel $0x88, $3  }
0x1: {  	(tag) =	ssettag $0x0;
	lr =	simm.s32 $0x1  }
0x2: {  	[smem:$0x3F9E] =	sst lr;
	_ =	strace $0xD0000000  }
0x3: {  	_ = 	snop  }
0x4: {  	_ = 	snop  }
0x5: {  	_ = 	snop  }
0x6: {  	_ = 	snop  }
0x7: {  	_ = 	snop  }
__scs_overlays_trampoline_lowered:
0x8: {  	[smem:$0x3FAD] =	sst s0  }
0x9: {  	[smem:$0x3FAE] =	sst s1  }
0xa: {  	[smem:$0x3FAF] =	sst s2  }
0xb: {  	[smem:$0x3FB0] =	sst s3  }
0xc: {  	[smem:$0x3FB1] =	sst s4  }
0xd: {  	[smem:$0x3FB2] =	sst s5  }
0xe: {  	[smem:$0x3FB3] =	sst s6  }
0xf: {  	[smem:$0x3FB4] =	sst s7  }
0x10: {  	[smem:$0x3FB5] =	sst s8  }
0x11: {  	[smem:$0x3FB6] =	sst s9;
	s0 =	simm.s32 @!p0 $0x0  }
0x12: {  	s1 =	sld [smem:$0x3F9C];
	s0 =	simm.s32 @p0 $0x1  }
0x13: {  	[smem:$0x3FB7] =	sst s0;
	s0 =	simm.s32 @!p1 $0x0  }
0x14: {  	s2 =	sld [smem:$0x3F9B];
	s0 =	simm.s32 @p1 $0x1  }
0x15: {  	[smem:$0x3FB8] =	sst s0;
	s0 =	simm.s32 @!p2 $0x0  }
0x16: {  	s3 =	sld [smem:$0x3FDB];
	s0 =	simm.s32 @p2 $0x1  }
0x17: {  	s4 =	simm.s32 $0x1BF5;
	[smem:$0x3FBA] =	sst s0  }
0x18: {  	s0 =	sld [smem:$0x3F9D];
	_ =	swait.ge [sflag:s4], $0x0  }
0x19: {  	s7 =	sld [smem:$0x3F9E]  }
0x1a: {  	s8 =	sadd.s32 $0xFFFFE003, lr  }
0x1b: {  	s9 =	sadd.s32 $0xFFFFFEF7, lr;
	s5 =	simm.s32 $0xFFFFFFFF;
	p2 =	slt.u32 s8, $0xFFFFF086  }
0x1c: {  	p1 =	slt.u32 s9, $0xF7A;
	s5 =	simm.s32 @!p2 $0x0  }
0x1d: {  	s5 =	simm.s32 @p1 $0x1;
	p0 =	seq.s32 s7, s2  }
0x1e: {  	s7 =	smul.u32 @!p0 $0xF7A, s2;
	p2 =	seq.s32 @!p0 s5, $0x0  }
0x1f: {  	s9 =	smul.u32 $0xF7A, s1;
	s8 =	simm.s32 @!p0 $0x1BF5;
	p2 =	por !p2, p0  }
0x20: {  	[sflag:s8] =	ssyncset.s32 @!p0 $0xFFFFF086;
	s6 =	sadd.s32 @!p0 s3, s7;
	s7 =	simm.s32 @!p0 $0x108  }
0x21: {  	s3 =	sadd.s32 s3, s9;
	s6 =	sadd.s32 @!p0 $0x88, s6;
	s7 =	simm.s32 @p2 $0x1082  }
0x22: {  	[simem:s7], [sflag:s8] =	dma.local @!p0 [hbm:s6], $0xF7A  }
0x23: {  	s9 =	sor.u32 $0xD0000000, s2;
	s6 =	simm.s32 $0x108;
	_ =	swait.ge @!p0 [sflag:s8], $0x0  }
0x24: {  	s3 =	sadd.s32 $0x88, s3;
	s6 =	simm.s32 @!p1 $0x1082;
	[sflag:s4] =	ssyncset.s32 $0xFFFFF086  }
0x25: {  	[simem:s6], [sflag:s4] =	dma.local [hbm:s3], $0xF7A  }
0x26: {  	[smem:$0x3F9E] =	sst s1;
	(tag) =	ssettag s2;
	_ =	strace s9  }
0x27: {  	s1 =	sld [smem:$0x3FAE]  }
0x28: {  	s2 =	sld [smem:$0x3FAF]  }
0x29: {  	s4 =	sld [smem:$0x3FB1]  }
0x2a: {  	p0 =	seq.s32 s5, $0x0;
	s5 =	sld [smem:$0x3FB2]  }
0x2b: {  	s6 =	sld [smem:$0x3FB3]  }
0x2c: {  	s7 =	sld [smem:$0x3FB4]  }
0x2d: {  	s3 =	simm.s32 $0x108;
	s8 =	sld [smem:$0x3FB5]  }
0x2e: {  	s3 =	simm.s32 @!p0 $0x1082;
	s9 =	sld [smem:$0x3FB6]  }
0x2f: {  	lr =	sadd.s32 s0, s3;
	s0 =	sld [smem:$0x3FAD]  }
0x30: {  	s3 =	sld [smem:$0x3FB0]  }
0x31: {  	[smem:$0x3FB9] =	sst s10  }
0x32: {  	s10 =	sld [smem:$0x3FB7];
	_ =	sdelay $0x3  }
0x33: {  	p0 =	seq.s32 s10, $0x1;
	s10 =	sld [smem:$0x3FB9];
	_ =	sdelay $0x3  }
0x34: {  	[smem:$0x3FB9] =	sst s10  }
0x35: {  	s10 =	sld [smem:$0x3FB8];
	_ =	sdelay $0x3  }
0x36: {  	p1 =	seq.s32 s10, $0x1;
	s10 =	sld [smem:$0x3FB9];
	_ =	sdelay $0x3  }
0x37: {  	[smem:$0x3FB9] =	sst s10  }
0x38: {  	s10 =	sld [smem:$0x3FBA]  }
0x39: {  	_ = 	snop;
	(pc) =	sbr.ind lr, $3  }
0x3a: {  	_ = 	snop  }
0x3b: {  	_ = 	snop  }
0x3c: {  	p2 =	seq.s32 s10, $0x1;
	s10 =	sld [smem:$0x3FB9]  }
0x3d: {  	_ =	shalt  }
0x3e: {  	_ =	shalt  }
0x3f: {  	_ =	shalt  }
0x40: {  	_ =	shalt  }
0x41: {  	_ =	shalt  }
0x42: {  	_ =	shalt  }
0x43: {  	_ =	shalt  }
0x44: {  	_ =	shalt  }
0x45: {  	_ =	shalt  }
0x46: {  	_ =	shalt  }
0x47: {  	_ =	shalt  }
0x48: {  	_ =	shalt  }
0x49: {  	_ =	shalt  }
0x4a: {  	_ =	shalt  }
0x4b: {  	_ =	shalt  }
0x4c: {  	_ =	shalt  }
0x4d: {  	_ =	shalt  }
0x4e: {  	_ =	shalt  }
0x4f: {  	_ =	shalt  }
0x50: {  	_ =	shalt  }
0x51: {  	_ =	shalt  }
0x52: {  	_ =	shalt  }
0x53: {  	_ =	shalt  }
0x54: {  	_ =	shalt  }
0x55: {  	_ =	shalt  }
0x56: {  	_ =	shalt  }
0x57: {  	_ =	shalt  }
0x58: {  	_ =	shalt  }
0x59: {  	_ =	shalt  }
0x5a: {  	_ =	shalt  }
0x5b: {  	_ =	shalt  }
0x5c: {  	_ =	shalt  }
0x5d: {  	_ =	shalt  }
0x5e: {  	_ =	shalt  }
0x5f: {  	_ =	shalt  }
0x60: {  	_ =	shalt  }
0x61: {  	_ =	shalt  }
0x62: {  	_ =	shalt  }
0x63: {  	_ =	shalt  }
0x64: {  	_ =	shalt  }
0x65: {  	_ =	shalt  }
0x66: {  	_ =	shalt  }
0x67: {  	_ =	shalt  }
0x68: {  	_ =	shalt  }
0x69: {  	_ =	shalt  }
0x6a: {  	_ =	shalt  }
0x6b: {  	_ =	shalt  }
0x6c: {  	_ =	shalt  }
0x6d: {  	_ =	shalt  }
0x6e: {  	_ =	shalt  }
0x6f: {  	_ =	shalt  }
0x70: {  	_ =	shalt  }
0x71: {  	_ =	shalt  }
0x72: {  	_ =	shalt  }
0x73: {  	_ =	shalt  }
0x74: {  	_ =	shalt  }
0x75: {  	_ =	shalt  }
0x76: {  	_ =	shalt  }
0x77: {  	_ =	shalt  }
0x78: {  	_ =	shalt  }
0x79: {  	_ =	shalt  }
0x7a: {  	_ =	shalt  }
0x7b: {  	_ =	shalt  }
0x7c: {  	_ =	shalt  }
0x7d: {  	_ =	shalt  }
0x7e: {  	_ =	shalt  }
0x7f: {  	_ =	shalt  }
0x80: {  	_ =	shalt  }
0x81: {  	_ =	shalt  }
0x82: {  	_ =	shalt  }
0x83: {  	_ =	shalt  }
0x84: {  	_ =	shalt  }
0x85: {  	_ =	shalt  }
0x86: {  	_ =	shalt  }
0x87: {  	_ =	shalt  }
.Lfunc_end0:
.L_simem_size_0:
called_computation_lowered:
.L_overlay_start_0:
0x88: {  	s2 =	sld [smem:$0x3FD9]  }
0x89: {  	s3 =	sld [smem:$0x3FFE];
	_ =	sdelay $0x1  }
0x8a: {  	s1 =	srdreg.scid  }
0x8b: {  	s0 =	sand.u32 $0x1, s1  }
0x8c: {  	s17 =	sshll.u32 s0, $0xA;
	s2 =	sadd.s32 s3, s2  }
0x8d: {  	s2 =	sadd.s32 s2, s17  }
0x8e: {  	[smem:$0x3FC5] =	sst s2  }
0x8f: {  	_ = 	snop  }
0x90: {  	s2 =	sld [smem:$0x3FC8]  }
0x91: {  	s18 =	sld [smem:$0x3FD0];
	(tm) =	ssettm $0x1  }
0x92: {  	s4 =	sld [smem:$0x3FFB];
	_ =	sdelay $0x3  }
0x93: {  	_ =	strace s4  }
0x94: {  	s4 =	sld [smem:$0x3FFC];
	_ =	sdelay $0x3  }
0x95: {  	_ =	strace s4  }
0x96: {  	s4 =	sld [smem:$0x3FFD];
	_ =	sdelay $0x3  }
0x97: {  	_ =	strace s4  }
0x98: {  	_ =	strace $0x8FFFFFFF  }
0x99: {  	s19 =	sld [smem:$0x3FDB];
	_ =	sdelay $0x1  }
0x9a: {  	s5 =	simm.s32 $_scs_section_size  }
0x9b: {  	s6 =	simm.s32 $_size__tile_overlayer_lowered;
	s7 =	simm.s32 $_tile_overlayer_lowered  }
0x9c: {  	s22 =	simm.s32 $0x1BFF;
	s21 =	sshll.u32 s7, $0x1;
	s4 =	sadd.s32 s5, s19  }
0x9d: {  	s8 =	simm.s32 $0x0;
	s20 =	sshll.u32 s6, $0x1;
	s6 =	sadd.s32 s21, s4  }
0x9e: {  	[timem:s8], [sflag:s22] =	dma.local [hbm:s6], s20  }
0x9f: {  	_ =	swait.ge [sflag:s22], s20  }
0xa0: {  	s5 =	ssub.s32 $0x0, s20;
	[sflag:s22] =	ssyncset.done $0x0  }
0xa1: {  	[sflag:s22] =	ssyncadd.s32 s5;
	_ =	sdelay $0x1  }
0xa2: {  	s23 =	simm.s32 $0x1B8B  }
0xa3: {  	_ =	swait.ge [sflag:s23], $0x1  }
0xa4: {  	[sflag:s23] =	ssyncset.done $0x0  }
0xa5: {  	s25 =	simm.s32 $0x1B8E;
	s24 =	sld [smem:$0x3FFE];
	[sflag:s23] =	ssyncadd.s32 $0xFFFFFFFF  }
0xa6: {  	s26 =	simm.s32 $execute0_lowered;
	[smem:$0x3FD2] =	sst s25  }
0xa7: {  	s6 =	sshll.u32 s26, $0x1;
	_ =	strace $0x80000046;
	[dreg:$0x1] =	wrdreg $0xFFFFFFFF  }
0xa8: {  	s28 =	simm.s32 $_size_execute0_lowered;
	s4 =	sadd.s32 s4, s6;
	[dreg:$0x0] =	wrdreg $0x0  }
0xa9: {  	s6 =	sshll.u32 s28, $0x1;
	[dreg:$0x2] =	wrdreg s4  }
0xaa: {  	[dreg:$0x3] =	wrdreg s6  }
0xab: {  	[dreg:$0x4] =	wrdreg $0xC0  }
0xac: {  	_ =	task [dreg:s8], $0x5FFFF  }
0xad: {  	[dreg:$0x1] =	wrdreg $0xFFFFFFFF  }
0xae: {  	[dreg:$0x0] =	wrdreg $0x60  }
0xaf: {  	[dreg:$0x2] =	wrdreg s24  }
0xb0: {  	[dreg:$0x3] =	wrdreg s2  }
0xb1: {  	[dreg:$0x4] =	wrdreg s18  }
0xb2: {  	[dreg:$0x5] =	wrdreg $0x9  }
0xb3: {  	_ =	task.clear_ibuf [dreg:s8], $0x6FFFF;
	_ =	strace $0x90000046  }
0xb4: {  	s29 =	simm.s32 $0x9;
	_ =	strace $0x80000048  }
0xb5: {  	_ =	swait.ge [sflag:s29], $0x1  }
0xb6: {  	[sflag:s29] =	ssyncadd.s32 $0xFFFFFFFF  }
0xb7: {  	_ =	strace $0x90000048  }
0xb8: {  	_ =	sfence  }
0xb9: {  	s30 =	sld [smem:$0x0];
	_ =	sdelay $0x2  }
0xba: {  	s31 =	sshll.u32 s1, $0xD;
	s1 =	sshrl.u32 s1, $0x2  }
0xbb: {  	s3 =	sand.u32 $0x4000, s31;
	s1 =	sadd.s32 s1, s30  }
0xbc: {  	s0 =	sor.u32 s3, s0;
	s1 =	sshll.u32 s1, $0x11  }
0xbd: {  	s0 =	sor.u32 s1, s0  }
0xbe: {  	s0 =	sadd.s32 $0x8F2B, s0  }
0xbf: {  	[sflag:s0] =	ssyncadd.remote.s32 $0x1  }
0xc0: {  	_ =	sfence.sel $0xFFFF  }
0xc1: {  	[dreg:$0x0] =	wrdreg $0xFFFFFFFF;
	(pc) =	sbr.abs _section_cstart, $3  }
0xc2: {  	[dreg:$0x1] =	wrdreg $0xFFFFFFFF  }
0xc3: {  	_ =	task.clear_ibuf [dreg:s8], $0x2FFFF;
	_ =	strace $0x9FFFFFFF  }
0xc4: {  	(tm) =	ssettm $0x7FFFFFFF  }
0xc5: {  	_ =	shalt  }
tec
execute0_lowered:
.L_overlay_start_1:
0x0: {  	(tag) =	ssettag $0x1  }
0x1: {  	s0 =	rddreg [dreg:$0x0];
	s1 =	srdreg.scid  }
0x2: {  	s3 =	stileid.u32;
	s2 =	rddreg [dreg:$0x1]  }
0x3: {  	s14 =	simm.s32 $0x1;
	s15 =	simm.s32 $0x50;
	s12 =	simm.s32 $0x6  }
0x4: {  	s28 =	simm.s32 $0x7;
	s29 =	simm.s32 $0x10900;
	s30 =	simm.s32 $0x3  }
0x5: {  	s31 =	simm.s32 $0x8;
	s13 =	simm.s32 $0x9;
	s18 =	simm.s32 $0x15900  }
0x6: {  	s20 =	simm.s32 $0x5;
	s1 =	sand.u32 $0x1, s1;
	s4 =	sshll.u32 s3, $0x1  }
0x7: {  	s22 =	simm.s32 $0xA;
	s23 =	simm.s32 $0x18100;
	s5 =	sor.u32 s1, s4  }
0x8: {  	s3 =	rddreg [dreg:$0x2];
	s4 =	simm.s32 $0x0;
	s5 =	smul.u32 $0x1900, s5  }
0x9: {  	s7 =	simm.s32 $0x0;
	s1 =	ssub.s32 $0x2, s1;
	[smem:$0x7FF] =	sst s4  }
0xa: {  	s25 =	sshrl.u32 s1, $0x1;
	_ =	strace $0x80000047;
	s6 =	sshrl.u32 s5, $0x3  }
0xb: {  	s8 =	sor.u32 $0x50, s5;
	s9 =	sor.u32 $0xA0, s5;
	s10 =	sor.u32 $0xF0, s5  }
0xc: {  	s11 =	sadd.s32 $0x140, s5;
	s6 =	sadd.s32 s6, s0;
	s0 =	sadd.s32 $0x6800, s0  }
0xd: {  	[dreg:$0x4] =	wrdreg s0;
	s0 =	ssub.s32 s1, s25;
	s26 =	sadd.s32 $0x400, s6  }
0xe: {  	s1 =	simm.s32 $0x13100;
	[dreg:$0x5] =	wrdreg s26;
	s0 =	smax.u32 s0, $0x1  }
0xf: {  	s26 =	simm.s32 $0x2;
	[dreg:$0x6] =	wrdreg s0;
	s0 =	simm.s32 $0x4  }
.LBB2_1:
0x10: {  	[dreg:$0x7] =	wrdreg s7  }
0x11: {  	s6 =	rddreg [dreg:$0x4];
	s21 =	simm.s32 $0x1A900  }
0x12: {  	[tilespmem:s21], [sflag:$0x6] =	stream.linear.gather [hbm4b:s6+s4], $0x80, $0x38;
	[tilespmem:$0x1A980] =	vst v63  }
0x13: {  	s24 =	rddreg [dreg:$0x5]  }
0x14: {  	[tilespmem:s4], [sflag:$0x1] =	stream.linear.gather [hbm4b:s24+s4], $0x1900, $0x38;
	[tilespmem:$0x1A980] =	vst v63  }
0x15: {  	_ =	swait.ge [sflag:s14], $0x1900  }
0x16: {  	[sflag:s14] =	ssyncset.done $0x0  }
0x17: {  	s25 =	simm.s32 $0x1900;
	[sflag:s14] =	ssyncadd.s32 $0xFFFFE700  }
0x18: {  	[tilespmem:s25], [sflag:$0x1] =	stream.indirect.gather [hbm4b:s2+s15], $0x80, s4, s15, $0xb8;
	[tilespmem:$0x1A980] =	vst v63  }
0x19: {  	s7 =	simm.s32 $0x4100  }
0x1a: {  	[tilespmem:s7], [sflag:$0x2] =	stream.indirect.gather [hbm4b:s2+s15], $0x80, s15, s15, $0xb8;
	[tilespmem:$0x1A980] =	vst v63  }
0x1b: {  	s16 =	simm.s32 $0xA0;
	s17 =	simm.s32 $0x6900  }
0x1c: {  	[tilespmem:s17], [sflag:$0x3] =	stream.indirect.gather [hbm4b:s2+s15], $0x80, s16, s15, $0xb8;
	[tilespmem:$0x1A980] =	vst v63  }
0x1d: {  	s19 =	simm.s32 $0xF0;
	s21 =	simm.s32 $0x9100  }
0x1e: {  	[tilespmem:s21], [sflag:$0x4] =	stream.indirect.gather [hbm4b:s2+s15], $0x80, s19, s15, $0xb8;
	[tilespmem:$0x1A980] =	vst v63  }
0x1f: {  	s24 =	simm.s32 $0x140;
	s25 =	simm.s32 $0xB900  }
0x20: {  	[tilespmem:s25], [sflag:$0x5] =	stream.indirect.gather [hbm4b:s2+s15], $0x80, s24, s15, $0xb8;
	[tilespmem:$0x1A980] =	vst v63  }
0x21: {  	_ =	swait.ge [sflag:s12], $0x80  }
0x22: {  	[sflag:s12] =	ssyncset.done $0x0  }
0x23: {  	[sflag:s12] =	ssyncadd.s32 $0xFFFFFF80  }
0x24: {  	v0 =	vld [tilespmem:$0x1A900];
	_ =	sdelay $0x3  }
0x25: {  	s7 =	simm.s32 $0x0  }
.LBB2_2:
0x26: {  	_ =	swait.ge [sflag:s14], $0x2800  }
0x27: {  	p0 =	seq.s32 s7, $0x0;
	[sflag:s14] =	ssyncset.done $0x0  }
0x28: {  	s6 =	simm.s32 @!p0 $0x6;
	[sflag:s14] =	ssyncadd.s32 $0xFFFFD800  }
0x29: {  	_ =	swait.ge @!p0 [sflag:s6], $0x2800  }
0x2a: {  	[sflag:s6] =	ssyncset.done @!p0 $0x0  }
0x2b: {  	s21 =	simm.s32 $0x1A00;
	[sflag:s6] =	ssyncadd.s32 @!p0 $0xFFFFD800  }
0x2c: {  	v1 =	vld [tilespmem:s21+$0x80];
	_ =	sdelay $0x3  }
0x2d: {  	v2 =	vld [tilespmem:s21+$0xFFFFFF00]  }
0x2e: {  	v3 =	vld [tilespmem:s21+$0xFFFFFF80];
	v1 =	vmul.f32 v1, v0  }
0x2f: {  	s6 =	simm.s32 $0xE200;
	v4 =	vld [tilespmem:s21+$0x0]  }
0x30: {  	[tilespmem:s6+$0x80] =	vst v1  }
0x31: {  	v1 =	vld [tilespmem:s21+$0x90]  }
0x32: {  	v2 =	vmul.f32 v2, v0  }
0x33: {  	v3 =	vmul.f32 v3, v0  }
0x34: {  	v4 =	vmul.f32 v4, v0;
	[tilespmem:s6+$0xFFFFFF00] =	vst v2  }
0x35: {  	[tilespmem:s6+$0xFFFFFF80] =	vst v3;
	v2 =	vld [tilespmem:s21+$0xFFFFFF10]  }
0x36: {  	[tilespmem:s6+$0x0] =	vst v4;
	v3 =	vld [tilespmem:s21+$0xFFFFFF90];
	v1 =	vmul.f32 v1, v0  }
0x37: {  	v4 =	vld [tilespmem:s21+$0x10]  }
0x38: {  	[tilespmem:s6+$0x90] =	vst v1  }
0x39: {  	v1 =	vld [tilespmem:s21+$0xA0]  }
0x3a: {  	v2 =	vmul.f32 v2, v0  }
0x3b: {  	v3 =	vmul.f32 v3, v0  }
0x3c: {  	v4 =	vmul.f32 v4, v0;
	[tilespmem:s6+$0xFFFFFF10] =	vst v2  }
0x3d: {  	[tilespmem:s6+$0xFFFFFF90] =	vst v3;
	v2 =	vld [tilespmem:s21+$0xFFFFFF20]  }
0x3e: {  	[tilespmem:s6+$0x10] =	vst v4;
	v3 =	vld [tilespmem:s21+$0xFFFFFFA0];
	v1 =	vmul.f32 v1, v0  }
0x3f: {  	v4 =	vld [tilespmem:s21+$0x20]  }
0x40: {  	[tilespmem:s6+$0xA0] =	vst v1  }
0x41: {  	v1 =	vld [tilespmem:s21+$0xB0]  }
0x42: {  	v2 =	vmul.f32 v2, v0  }
0x43: {  	v3 =	vmul.f32 v3, v0  }
0x44: {  	v4 =	vmul.f32 v4, v0;
	[tilespmem:s6+$0xFFFFFF20] =	vst v2  }
0x45: {  	[tilespmem:s6+$0xFFFFFFA0] =	vst v3;
	v2 =	vld [tilespmem:s21+$0xFFFFFF30]  }
0x46: {  	[tilespmem:s6+$0x20] =	vst v4;
	v3 =	vld [tilespmem:s21+$0xFFFFFFB0];
	v1 =	vmul.f32 v1, v0  }
0x47: {  	s12 =	simm.s32 $0x1C00;
	v4 =	vld [tilespmem:s21+$0x30]  }
0x48: {  	[tilespmem:s6+$0xB0] =	vst v1;
	v1 =	vld [tilespmem:s12+$0x80]  }
0x49: {  	v5 =	vld [tilespmem:s21+$0xC0]  }
0x4a: {  	v6 =	vld [tilespmem:s12+$0xFFFFFF80];
	v2 =	vmul.f32 v2, v0  }
0x4b: {  	v7 =	vld [tilespmem:s12+$0x0];
	v3 =	vmul.f32 v3, v0  }
0x4c: {  	v4 =	vmul.f32 v4, v0;
	[tilespmem:s6+$0xFFFFFF30] =	vst v2;
	v2 =	vld [tilespmem:s12+$0xFFFFFF00]  }
0x4d: {  	[tilespmem:s6+$0xFFFFFFB0] =	vst v3;
	v3 =	vld [tilespmem:s21+$0xFFFFFF40];
	v1 =	vmul.f32 v1, v0  }
0x4e: {  	s16 =	simm.s32 $0xE400;
	[tilespmem:s6+$0x30] =	vst v4;
	v4 =	vld [tilespmem:s21+$0xFFFFFFC0];
	v5 =	vmul.f32 v5, v0  }
0x4f: {  	v6 =	vmul.f32 v6, v0;
	[tilespmem:s16+$0x80] =	vst v1;
	v1 =	vld [tilespmem:s21+$0x40]  }
0x50: {  	v7 =	vmul.f32 v7, v0;
	v8 =	vld [tilespmem:s12+$0x90];
	[tilespmem:s6+$0xC0] =	vst v5  }
0x51: {  	[tilespmem:s16+$0xFFFFFF80] =	vst v6;
	v2 =	vmul.f32 v2, v0;
	v5 =	vld [tilespmem:s21+$0xD0]  }
0x52: {  	[tilespmem:s16+$0x0] =	vst v7;
	v6 =	vld [tilespmem:s12+$0xFFFFFF90];
	v3 =	vmul.f32 v3, v0  }
0x53: {  	v4 =	vmul.f32 v4, v0;
	[tilespmem:s16+$0xFFFFFF00] =	vst v2;
	v2 =	vld [tilespmem:s12+$0x10]  }
0x54: {  	v7 =	vld [tilespmem:s12+$0xFFFFFF10];
	[tilespmem:s6+$0xFFFFFF40] =	vst v3;
	v1 =	vmul.f32 v1, v0  }
0x55: {  	[tilespmem:s6+$0xFFFFFFC0] =	vst v4;
	v3 =	vmul.f32 v8, v0;
	v8 =	vld [tilespmem:s21+$0xFFFFFF50]  }
0x56: {  	v4 =	vld [tilespmem:s21+$0xFFFFFFD0];
	[tilespmem:s6+$0x40] =	vst v1;
	v1 =	vmul.f32 v5, v0  }
0x57: {  	v5 =	vmul.f32 v6, v0;
	[tilespmem:s16+$0x90] =	vst v3;
	v3 =	vld [tilespmem:s21+$0x50]  }
0x58: {  	v2 =	vmul.f32 v2, v0;
	v6 =	vld [tilespmem:s12+$0xA0];
	[tilespmem:s6+$0xD0] =	vst v1  }
0x59: {  	v1 =	vmul.f32 v7, v0;
	[tilespmem:s16+$0xFFFFFF90] =	vst v5;
	v5 =	vld [tilespmem:s21+$0xE0]  }
0x5a: {  	[tilespmem:s16+$0x10] =	vst v2;
	v7 =	vld [tilespmem:s12+$0xFFFFFFA0];
	v2 =	vmul.f32 v8, v0  }
0x5b: {  	v4 =	vmul.f32 v4, v0;
	[tilespmem:s16+$0xFFFFFF10] =	vst v1;
	v1 =	vld [tilespmem:s12+$0x20]  }
0x5c: {  	v8 =	vld [tilespmem:s12+$0xFFFFFF20];
	[tilespmem:s6+$0xFFFFFF50] =	vst v2;
	v2 =	vmul.f32 v3, v0  }
0x5d: {  	[tilespmem:s6+$0xFFFFFFD0] =	vst v4;
	v3 =	vmul.f32 v6, v0;
	v6 =	vld [tilespmem:s21+$0xFFFFFF60]  }
0x5e: {  	v4 =	vld [tilespmem:s21+$0xFFFFFFE0];
	[tilespmem:s6+$0x50] =	vst v2;
	v2 =	vmul.f32 v5, v0  }
0x5f: {  	v5 =	vmul.f32 v7, v0;
	[tilespmem:s16+$0xA0] =	vst v3;
	v3 =	vld [tilespmem:s21+$0x60]  }
0x60: {  	v1 =	vmul.f32 v1, v0;
	v7 =	vld [tilespmem:s12+$0xB0];
	[tilespmem:s6+$0xE0] =	vst v2  }
0x61: {  	v2 =	vmul.f32 v8, v0;
	[tilespmem:s16+$0xFFFFFFA0] =	vst v5;
	v8 =	vld [tilespmem:s21+$0xF0]  }
0x62: {  	v9 =	vld [tilespmem:s12+$0xFFFFFFB0];
	[tilespmem:s16+$0x20] =	vst v1;
	v1 =	vmul.f32 v6, v0  }
0x63: {  	v4 =	vmul.f32 v4, v0;
	[tilespmem:s16+$0xFFFFFF20] =	vst v2;
	v5 =	vld [tilespmem:s12+$0x30]  }
0x64: {  	v6 =	vld [tilespmem:s12+$0xFFFFFF30];
	[tilespmem:s6+$0xFFFFFF60] =	vst v1;
	v3 =	vmul.f32 v3, v0  }
0x65: {  	[tilespmem:s6+$0xFFFFFFE0] =	vst v4;
	v10 =	vmul.f32 v7, v0;
	v2 =	vld [tilespmem:s21+$0xFFFFFF70]  }
0x66: {  	v1 =	vld [tilespmem:s21+$0xFFFFFFF0];
	[tilespmem:s6+$0x60] =	vst v3;
	v4 =	vmul.f32 v8, v0  }
0x67: {  	s17 =	simm.s32 $0x4;
	s19 =	simm.s32 $0x1E00;
	v7 =	vmul.f32 v9, v0;
	[tilespmem:s16+$0xB0] =	vst v10;
	v3 =	vld [tilespmem:s21+$0x70]  }
.LBB2_3:
0x68: {  	v8 =	vld [tilespmem:s19+$0x80];
	v5 =	vmul.f32 v5, v0;
	[tilespmem:s6+$0xF0] =	vst v4  }
0x69: {  	s17 =	sadd.s32 $0x4, s17;
	v4 =	vmul.f32 v6, v0;
	[tilespmem:s16+$0xFFFFFFB0] =	vst v7;
	v6 =	vld [tilespmem:s12+$0xC0]  }
0x6a: {  	p1 =	slt.u32 s17, $0x4C;
	v7 =	vld [tilespmem:s19+$0xFFFFFF80];
	[tilespmem:s16+$0x30] =	vst v5;
	v2 =	vmul.f32 v2, v0  }
0x6b: {  	v5 =	vld [tilespmem:s19+$0x0];
	[tilespmem:s16+$0xFFFFFF30] =	vst v4;
	v1 =	vmul.f32 v1, v0  }
0x6c: {  	v4 =	vld [tilespmem:s19+$0xFFFFFF00];
	[tilespmem:s6+$0xFFFFFF70] =	vst v2;
	v2 =	vmul.f32 v3, v0  }
0x6d: {  	v3 =	vmul.f32 v8, v0;
	v8 =	vld [tilespmem:s12+$0xFFFFFF40];
	[tilespmem:s6+$0xFFFFFFF0] =	vst v1  }
0x6e: {  	v1 =	vld [tilespmem:s12+$0xFFFFFFC0];
	v6 =	vmul.f32 v6, v0;
	[tilespmem:s6+$0x70] =	vst v2;
	s6 =	smov.u32 s16;
	s16 =	sadd.s32 $0x200, s16  }
0x6f: {  	v2 =	vmul.f32 v7, v0;
	[tilespmem:s16+$0x80] =	vst v3;
	v3 =	vld [tilespmem:s12+$0x40]  }
0x70: {  	v5 =	vmul.f32 v5, v0;
	v7 =	vld [tilespmem:s19+$0x90];
	[tilespmem:s6+$0xC0] =	vst v6  }
0x71: {  	v4 =	vmul.f32 v4, v0;
	[tilespmem:s16+$0xFFFFFF80] =	vst v2;
	v2 =	vld [tilespmem:s12+$0xD0]  }
0x72: {  	v6 =	vld [tilespmem:s19+$0xFFFFFF90];
	[tilespmem:s16+$0x0] =	vst v5;
	v5 =	vmul.f32 v8, v0  }
0x73: {  	[tilespmem:s16+$0xFFFFFF00] =	vst v4;
	v4 =	vld [tilespmem:s19+$0x10];
	v1 =	vmul.f32 v1, v0  }
0x74: {  	v8 =	vld [tilespmem:s19+$0xFFFFFF10];
	[tilespmem:s6+$0xFFFFFF40] =	vst v5;
	v3 =	vmul.f32 v3, v0  }
0x75: {  	v5 =	vmul.f32 v7, v0;
	v7 =	vld [tilespmem:s12+$0xFFFFFF50];
	[tilespmem:s6+$0xFFFFFFC0] =	vst v1  }
0x76: {  	v1 =	vld [tilespmem:s12+$0xFFFFFFD0];
	[tilespmem:s6+$0x40] =	vst v3;
	v2 =	vmul.f32 v2, v0  }
0x77: {  	v3 =	vmul.f32 v6, v0;
	[tilespmem:s16+$0x90] =	vst v5;
	v5 =	vld [tilespmem:s12+$0x50]  }
0x78: {  	v4 =	vmul.f32 v4, v0;
	v6 =	vld [tilespmem:s19+$0xA0];
	[tilespmem:s6+$0xD0] =	vst v2  }
0x79: {  	v2 =	vmul.f32 v8, v0;
	[tilespmem:s16+$0xFFFFFF90] =	vst v3;
	v3 =	vld [tilespmem:s12+$0xE0]  }
0x7a: {  	v8 =	vld [tilespmem:s19+$0xFFFFFFA0];
	[tilespmem:s16+$0x10] =	vst v4;
	v4 =	vmul.f32 v7, v0  }
0x7b: {  	[tilespmem:s16+$0xFFFFFF10] =	vst v2;
	v2 =	vld [tilespmem:s19+$0x20];
	v1 =	vmul.f32 v1, v0  }
0x7c: {  	v7 =	vld [tilespmem:s19+$0xFFFFFF20];
	[tilespmem:s6+$0xFFFFFF50] =	vst v4;
	v4 =	vmul.f32 v5, v0  }
0x7d: {  	v5 =	vmul.f32 v6, v0;
	v6 =	vld [tilespmem:s12+$0xFFFFFF60];
	[tilespmem:s6+$0xFFFFFFD0] =	vst v1  }
0x7e: {  	v1 =	vld [tilespmem:s12+$0xFFFFFFE0];
	[tilespmem:s6+$0x50] =	vst v4;
	v3 =	vmul.f32 v3, v0  }
0x7f: {  	v4 =	vmul.f32 v8, v0;
	[tilespmem:s16+$0xA0] =	vst v5;
	v8 =	vld [tilespmem:s12+$0x60]  }
0x80: {  	v2 =	vmul.f32 v2, v0;
	v9 =	vld [tilespmem:s19+$0xB0];
	[tilespmem:s6+$0xE0] =	vst v3  }
0x81: {  	v3 =	vmul.f32 v7, v0;
	[tilespmem:s16+$0xFFFFFFA0] =	vst v4;
	v4 =	vld [tilespmem:s12+$0xF0]  }
0x82: {  	v7 =	vld [tilespmem:s19+$0xFFFFFFB0];
	[tilespmem:s16+$0x20] =	vst v2;
	v2 =	vmul.f32 v6, v0  }
.Ltmp0:
0x83: {  	[tilespmem:s16+$0xFFFFFF20] =	vst v3;
	v5 =	vld [tilespmem:s19+$0x30];
	v1 =	vmul.f32 v1, v0;
	(pc) =	sbr.rel @p1 .LBB2_3-.Ltmp0, $4  }
0x84: {  	v6 =	vld [tilespmem:s19+$0xFFFFFF30];
	[tilespmem:s6+$0xFFFFFF60] =	vst v2;
	v3 =	vmul.f32 v8, v0  }
0x85: {  	v8 =	vmul.f32 v9, v0;
	v2 =	vld [tilespmem:s12+$0xFFFFFF70];
	[tilespmem:s6+$0xFFFFFFE0] =	vst v1  }
0x86: {  	v1 =	vld [tilespmem:s12+$0xFFFFFFF0];
	[tilespmem:s6+$0x60] =	vst v3;
	v4 =	vmul.f32 v4, v0  }
0x87: {  	v7 =	vmul.f32 v7, v0;
	[tilespmem:s16+$0xB0] =	vst v8;
	v3 =	vld [tilespmem:s12+$0x70];
	s12 =	smov.u32 s19;
	s19 =	sadd.s32 $0x200, s19  }
0x88: {  	_ = 	snop  }
0x89: {  	v6 =	vmul.f32 v6, v0;
	_ =	sdelay $0x1  }
0x8a: {  	v5 =	vmul.f32 v5, v0;
	v8 =	vld [tilespmem:s12+$0xC0];
	[tilespmem:s16+$0xFFFFFF30] =	vst v6  }
0x8b: {  	[tilespmem:s16+$0xFFFFFFB0] =	vst v7;
	v6 =	vld [tilespmem:s12+$0xFFFFFF40]  }
0x8c: {  	[tilespmem:s16+$0x30] =	vst v5;
	v56 =	vld [tilespmem:s12+$0xFFFFFFC0]  }
0x8d: {  	v57 =	vld [tilespmem:s12+$0x40];
	_ =	sdelay $0x1  }
0x8e: {  	v8 =	vmul.f32 v8, v0  }
0x8f: {  	v6 =	vmul.f32 v6, v0  }
0x90: {  	[tilespmem:s16+$0xC0] =	vst v8;
	v5 =	vmul.f32 v56, v0  }
0x91: {  	v8 =	vld [tilespmem:s12+$0xD0];
	v58 =	vmul.f32 v57, v0;
	[tilespmem:s16+$0xFFFFFF40] =	vst v6  }
0x92: {  	[tilespmem:s16+$0xFFFFFFC0] =	vst v5;
	v59 =	vld [tilespmem:s12+$0xFFFFFF50]  }
0x93: {  	v5 =	vld [tilespmem:s12+$0xFFFFFFD0];
	[tilespmem:s16+$0x40] =	vst v58  }
0x94: {  	v6 =	vld [tilespmem:s12+$0x50];
	_ =	sdelay $0x1  }
0x95: {  	v8 =	vmul.f32 v8, v0  }
0x96: {  	v7 =	vmul.f32 v59, v0  }
0x97: {  	[tilespmem:s16+$0xD0] =	vst v8;
	v5 =	vmul.f32 v5, v0  }
0x98: {  	v8 =	vld [tilespmem:s12+$0xE0];
	v6 =	vmul.f32 v6, v0;
	[tilespmem:s16+$0xFFFFFF50] =	vst v7  }
0x99: {  	[tilespmem:s16+$0xFFFFFFD0] =	vst v5;
	v7 =	vld [tilespmem:s12+$0xFFFFFF60]  }
0x9a: {  	v5 =	vld [tilespmem:s12+$0xFFFFFFE0];
	[tilespmem:s16+$0x50] =	vst v6  }
0x9b: {  	v6 =	vld [tilespmem:s12+$0x60];
	_ =	sdelay $0x1  }
0x9c: {  	v8 =	vmul.f32 v8, v0  }
0x9d: {  	v7 =	vmul.f32 v7, v0  }
0x9e: {  	[tilespmem:s16+$0xE0] =	vst v8;
	v5 =	vmul.f32 v5, v0  }
0x9f: {  	v60 =	vld [tilespmem:s12+$0xF0];
	v6 =	vmul.f32 v6, v0;
	[tilespmem:s16+$0xFFFFFF60] =	vst v7  }
0xa0: {  	[tilespmem:s16+$0xFFFFFFE0] =	vst v5;
	v61 =	vld [tilespmem:s12+$0xFFFFFF70]  }
0xa1: {  	v2 =	vmul.f32 v2, v0;
	[tilespmem:s16+$0x60] =	vst v6;
	v62 =	vld [tilespmem:s12+$0xFFFFFFF0]  }
0xa2: {  	[tilespmem:s6+$0xF0] =	vst v4;
	v1 =	vmul.f32 v1, v0;
	v63 =	vld [tilespmem:s12+$0x70]  }
0xa3: {  	[tilespmem:s6+$0xFFFFFF70] =	vst v2;
	v2 =	vmul.f32 v3, v0  }
0xa4: {  	[tilespmem:s6+$0xFFFFFFF0] =	vst v1;
	v1 =	vmul.f32 v60, v0  }
0xa5: {  	p1 =	sne.s32 s7, $0xF;
	[tilespmem:s6+$0x70] =	vst v2;
	s12 =	smul.u32 $0x190, s7;
	v2 =	vmul.f32 v61, v0  }
.Ltmp1:
0xa6: {  	[tilespmem:s16+$0xF0] =	vst v1;
	v1 =	vmul.f32 v62, v0;
	(pc) =	sbr.rel @p1 .LBB2_6-.Ltmp1, $4  }
0xa7: {  	s24 =	sadd.s32 s5, s12;
	[tilespmem:s16+$0xFFFFFF70] =	vst v2;
	v2 =	vmul.f32 v63, v0  }
0xa8: {  	s6 =	sshll.u32 s24, $0x4;
	[tilespmem:s16+$0xFFFFFFF0] =	vst v1  }
0xa9: {  	s25 =	simm.s32 $0xE100;
	s6 =	sadd.s32 s3, s6;
	[tilespmem:s16+$0x70] =	vst v2  }
0xaa: {  	[hbm4b:s6+s4] =	stream.linear.scatter [tilespmem:s25], [sflag:$0x6], $0x2800, $0x38;
	[tilespmem:$0x1A980] =	vst v63  }
.Ltmp2:
0xab: {  	(pc) =	sbr.rel .LBB2_7-.Ltmp2, $4  }
0xac: {  	_ = 	snop  }
0xad: {  	_ =	swait.ge [sflag:s26], $0x2800  }
0xae: {  	[sflag:s26] =	ssyncset.done $0x0  }
0xaf: {  	[sflag:s26] =	ssyncadd.s32 $0xFFFFD800  }
.LBB2_6:
0xb0: {  	s6 =	smul.u32 $0x640, s7;
	_ =	sdelay $0x1  }
0xb1: {  	s6 =	sshra.s32 s6, $0x2  }
.Ltmp3:
0xb2: {  	s16 =	simm.s32 $0x1900;
	s6 =	sadd.s32 $0x190, s6;
	(pc) =	sbr.rel @p0 .LBB2_8-.Ltmp3, $4  }
0xb3: {  	[tilespmem:s16], [sflag:$0x1] =	stream.indirect.gather [hbm4b:s2+s15], $0x80, s6, s15, $0xb8;
	[tilespmem:$0x1A980] =	vst v63  }
0xb4: {  	_ =	swait.ge [sflag:s26], $0x2800  }
0xb5: {  	[sflag:s26] =	ssyncset.done $0x0  }
0xb6: {  	[sflag:s26] =	ssyncadd.s32 $0xFFFFD800  }
.LBB2_7:
0xb7: {  	_ =	swait.ge [sflag:s28], $0x2800  }
0xb8: {  	[sflag:s28] =	ssyncset.done $0x0  }
0xb9: {  	[sflag:s28] =	ssyncadd.s32 $0xFFFFD800  }
.LBB2_8:
0xba: {  	s25 =	simm.s32 $0x4200  }
0xbb: {  	v1 =	vld [tilespmem:s25+$0x80];
	_ =	sdelay $0x3  }
0xbc: {  	v2 =	vld [tilespmem:s25+$0xFFFFFF00]  }
0xbd: {  	v3 =	vld [tilespmem:s25+$0xFFFFFF80];
	v1 =	vmul.f32 v1, v0  }
0xbe: {  	s6 =	simm.s32 $0x10A00;
	v4 =	vld [tilespmem:s25+$0x0]  }
0xbf: {  	[tilespmem:s6+$0x80] =	vst v1  }
0xc0: {  	v1 =	vld [tilespmem:s25+$0x90]  }
0xc1: {  	v2 =	vmul.f32 v2, v0  }
0xc2: {  	v3 =	vmul.f32 v3, v0  }
0xc3: {  	v4 =	vmul.f32 v4, v0;
	[tilespmem:s6+$0xFFFFFF00] =	vst v2  }
0xc4: {  	[tilespmem:s6+$0xFFFFFF80] =	vst v3;
	v2 =	vld [tilespmem:s25+$0xFFFFFF10]  }
0xc5: {  	[tilespmem:s6+$0x0] =	vst v4;
	v3 =	vld [tilespmem:s25+$0xFFFFFF90];
	v1 =	vmul.f32 v1, v0  }
0xc6: {  	v4 =	vld [tilespmem:s25+$0x10]  }
0xc7: {  	[tilespmem:s6+$0x90] =	vst v1  }
0xc8: {  	v1 =	vld [tilespmem:s25+$0xA0]  }
0xc9: {  	v2 =	vmul.f32 v2, v0  }
0xca: {  	v3 =	vmul.f32 v3, v0  }
0xcb: {  	v4 =	vmul.f32 v4, v0;
	[tilespmem:s6+$0xFFFFFF10] =	vst v2  }
0xcc: {  	[tilespmem:s6+$0xFFFFFF90] =	vst v3;
	v2 =	vld [tilespmem:s25+$0xFFFFFF20]  }
0xcd: {  	[tilespmem:s6+$0x10] =	vst v4;
	v3 =	vld [tilespmem:s25+$0xFFFFFFA0];
	v1 =	vmul.f32 v1, v0  }
0xce: {  	v4 =	vld [tilespmem:s25+$0x20]  }
0xcf: {  	[tilespmem:s6+$0xA0] =	vst v1  }
0xd0: {  	v1 =	vld [tilespmem:s25+$0xB0]  }
0xd1: {  	v2 =	vmul.f32 v2, v0  }
0xd2: {  	v3 =	vmul.f32 v3, v0  }
0xd3: {  	v4 =	vmul.f32 v4, v0;
	[tilespmem:s6+$0xFFFFFF20] =	vst v2  }
0xd4: {  	[tilespmem:s6+$0xFFFFFFA0] =	vst v3;
	v2 =	vld [tilespmem:s25+$0xFFFFFF30]  }
0xd5: {  	[tilespmem:s6+$0x20] =	vst v4;
	v3 =	vld [tilespmem:s25+$0xFFFFFFB0];
	v1 =	vmul.f32 v1, v0  }
0xd6: {  	s16 =	simm.s32 $0x4400;
	v4 =	vld [tilespmem:s25+$0x30]  }
0xd7: {  	[tilespmem:s6+$0xB0] =	vst v1;
	v1 =	vld [tilespmem:s16+$0x80]  }
0xd8: {  	v5 =	vld [tilespmem:s25+$0xC0]  }
0xd9: {  	v6 =	vld [tilespmem:s16+$0xFFFFFF80];
	v2 =	vmul.f32 v2, v0  }
0xda: {  	v7 =	vld [tilespmem:s16+$0x0];
	v3 =	vmul.f32 v3, v0  }
0xdb: {  	v4 =	vmul.f32 v4, v0;
	[tilespmem:s6+$0xFFFFFF30] =	vst v2;
	v2 =	vld [tilespmem:s16+$0xFFFFFF00]  }
0xdc: {  	[tilespmem:s6+$0xFFFFFFB0] =	vst v3;
	v3 =	vld [tilespmem:s25+$0xFFFFFF40];
	v1 =	vmul.f32 v1, v0  }
0xdd: {  	s17 =	simm.s32 $0x10C00;
	[tilespmem:s6+$0x30] =	vst v4;
	v4 =	vld [tilespmem:s25+$0xFFFFFFC0];
	v5 =	vmul.f32 v5, v0  }
0xde: {  	v6 =	vmul.f32 v6, v0;
	[tilespmem:s17+$0x80] =	vst v1;
	v1 =	vld [tilespmem:s25+$0x40]  }
0xdf: {  	v7 =	vmul.f32 v7, v0;
	v8 =	vld [tilespmem:s16+$0x90];
	[tilespmem:s6+$0xC0] =	vst v5  }
0xe0: {  	[tilespmem:s17+$0xFFFFFF80] =	vst v6;
	v2 =	vmul.f32 v2, v0;
	v5 =	vld [tilespmem:s25+$0xD0]  }
0xe1: {  	[tilespmem:s17+$0x0] =	vst v7;
	v6 =	vld [tilespmem:s16+$0xFFFFFF90];
	v3 =	vmul.f32 v3, v0  }
0xe2: {  	v4 =	vmul.f32 v4, v0;
	[tilespmem:s17+$0xFFFFFF00] =	vst v2;
	v2 =	vld [tilespmem:s16+$0x10]  }
0xe3: {  	v7 =	vld [tilespmem:s16+$0xFFFFFF10];
	[tilespmem:s6+$0xFFFFFF40] =	vst v3;
	v1 =	vmul.f32 v1, v0  }
0xe4: {  	[tilespmem:s6+$0xFFFFFFC0] =	vst v4;
	v3 =	vmul.f32 v8, v0;
	v8 =	vld [tilespmem:s25+$0xFFFFFF50]  }
0xe5: {  	v4 =	vld [tilespmem:s25+$0xFFFFFFD0];
	[tilespmem:s6+$0x40] =	vst v1;
	v1 =	vmul.f32 v5, v0  }
0xe6: {  	v5 =	vmul.f32 v6, v0;
	[tilespmem:s17+$0x90] =	vst v3;
	v3 =	vld [tilespmem:s25+$0x50]  }
0xe7: {  	v2 =	vmul.f32 v2, v0;
	v6 =	vld [tilespmem:s16+$0xA0];
	[tilespmem:s6+$0xD0] =	vst v1  }
0xe8: {  	v1 =	vmul.f32 v7, v0;
	[tilespmem:s17+$0xFFFFFF90] =	vst v5;
	v5 =	vld [tilespmem:s25+$0xE0]  }
0xe9: {  	[tilespmem:s17+$0x10] =	vst v2;
	v7 =	vld [tilespmem:s16+$0xFFFFFFA0];
	v2 =	vmul.f32 v8, v0  }
0xea: {  	v4 =	vmul.f32 v4, v0;
	[tilespmem:s17+$0xFFFFFF10] =	vst v1;
	v1 =	vld [tilespmem:s16+$0x20]  }
0xeb: {  	v8 =	vld [tilespmem:s16+$0xFFFFFF20];
	[tilespmem:s6+$0xFFFFFF50] =	vst v2;
	v2 =	vmul.f32 v3, v0  }
0xec: {  	[tilespmem:s6+$0xFFFFFFD0] =	vst v4;
	v3 =	vmul.f32 v6, v0;
	v6 =	vld [tilespmem:s25+$0xFFFFFF60]  }
0xed: {  	v4 =	vld [tilespmem:s25+$0xFFFFFFE0];
	[tilespmem:s6+$0x50] =	vst v2;
	v2 =	vmul.f32 v5, v0  }
0xee: {  	v5 =	vmul.f32 v7, v0;
	[tilespmem:s17+$0xA0] =	vst v3;
	v3 =	vld [tilespmem:s25+$0x60]  }
0xef: {  	v1 =	vmul.f32 v1, v0;
	v7 =	vld [tilespmem:s16+$0xB0];
	[tilespmem:s6+$0xE0] =	vst v2  }
0xf0: {  	v2 =	vmul.f32 v8, v0;
	[tilespmem:s17+$0xFFFFFFA0] =	vst v5;
	v8 =	vld [tilespmem:s25+$0xF0]  }
0xf1: {  	v9 =	vld [tilespmem:s16+$0xFFFFFFB0];
	[tilespmem:s17+$0x20] =	vst v1;
	v1 =	vmul.f32 v6, v0  }
0xf2: {  	v4 =	vmul.f32 v4, v0;
	[tilespmem:s17+$0xFFFFFF20] =	vst v2;
	v5 =	vld [tilespmem:s16+$0x30]  }
0xf3: {  	v6 =	vld [tilespmem:s16+$0xFFFFFF30];
	[tilespmem:s6+$0xFFFFFF60] =	vst v1;
	v3 =	vmul.f32 v3, v0  }
0xf4: {  	[tilespmem:s6+$0xFFFFFFE0] =	vst v4;
	v10 =	vmul.f32 v7, v0;
	v2 =	vld [tilespmem:s25+$0xFFFFFF70]  }
0xf5: {  	v1 =	vld [tilespmem:s25+$0xFFFFFFF0];
	[tilespmem:s6+$0x60] =	vst v3;
	v4 =	vmul.f32 v8, v0  }
0xf6: {  	s24 =	sadd.s32 $0x1, s7;
	s19 =	simm.s32 $0x4;
	s21 =	simm.s32 $0x4600;
	v7 =	vmul.f32 v9, v0;
	[tilespmem:s17+$0xB0] =	vst v10;
	v3 =	vld [tilespmem:s25+$0x70]  }
.LBB2_9:
0xf7: {  	v8 =	vld [tilespmem:s21+$0x80];
	v5 =	vmul.f32 v5, v0;
	[tilespmem:s6+$0xF0] =	vst v4  }
0xf8: {  	s19 =	sadd.s32 $0x4, s19;
	v4 =	vmul.f32 v6, v0;
	[tilespmem:s17+$0xFFFFFFB0] =	vst v7;
	v6 =	vld [tilespmem:s16+$0xC0]  }
0xf9: {  	p2 =	slt.u32 s19, $0x4C;
	v7 =	vld [tilespmem:s21+$0xFFFFFF80];
	[tilespmem:s17+$0x30] =	vst v5;
	v2 =	vmul.f32 v2, v0  }
0xfa: {  	v5 =	vld [tilespmem:s21+$0x0];
	[tilespmem:s17+$0xFFFFFF30] =	vst v4;
	v1 =	vmul.f32 v1, v0  }
0xfb: {  	v4 =	vld [tilespmem:s21+$0xFFFFFF00];
	[tilespmem:s6+$0xFFFFFF70] =	vst v2;
	v2 =	vmul.f32 v3, v0  }
0xfc: {  	v3 =	vmul.f32 v8, v0;
	v8 =	vld [tilespmem:s16+$0xFFFFFF40];
	[tilespmem:s6+$0xFFFFFFF0] =	vst v1  }
0xfd: {  	v1 =	vld [tilespmem:s16+$0xFFFFFFC0];
	v6 =	vmul.f32 v6, v0;
	[tilespmem:s6+$0x70] =	vst v2;
	s6 =	smov.u32 s17;
	s17 =	sadd.s32 $0x200, s17  }
0xfe: {  	v2 =	vmul.f32 v7, v0;
	[tilespmem:s17+$0x80] =	vst v3;
	v3 =	vld [tilespmem:s16+$0x40]  }
0xff: {  	v5 =	vmul.f32 v5, v0;
	v7 =	vld [tilespmem:s21+$0x90];
	[tilespmem:s6+$0xC0] =	vst v6  }
0x100: {  	v4 =	vmul.f32 v4, v0;
	[tilespmem:s17+$0xFFFFFF80] =	vst v2;
	v2 =	vld [tilespmem:s16+$0xD0]  }
0x101: {  	v6 =	vld [tilespmem:s21+$0xFFFFFF90];
	[tilespmem:s17+$0x0] =	vst v5;
	v5 =	vmul.f32 v8, v0  }
0x102: {  	[tilespmem:s17+$0xFFFFFF00] =	vst v4;
	v4 =	vld [tilespmem:s21+$0x10];
	v1 =	vmul.f32 v1, v0  }
0x103: {  	v8 =	vld [tilespmem:s21+$0xFFFFFF10];
	[tilespmem:s6+$0xFFFFFF40] =	vst v5;
	v3 =	vmul.f32 v3, v0  }
0x104: {  	v5 =	vmul.f32 v7, v0;
	v7 =	vld [tilespmem:s16+$0xFFFFFF50];
	[tilespmem:s6+$0xFFFFFFC0] =	vst v1  }
0x105: {  	v1 =	vld [tilespmem:s16+$0xFFFFFFD0];
	[tilespmem:s6+$0x40] =	vst v3;
	v2 =	vmul.f32 v2, v0  }
0x106: {  	v3 =	vmul.f32 v6, v0;
	[tilespmem:s17+$0x90] =	vst v5;
	v5 =	vld [tilespmem:s16+$0x50]  }
0x107: {  	v4 =	vmul.f32 v4, v0;
	v6 =	vld [tilespmem:s21+$0xA0];
	[tilespmem:s6+$0xD0] =	vst v2  }
0x108: {  	v2 =	vmul.f32 v8, v0;
	[tilespmem:s17+$0xFFFFFF90] =	vst v3;
	v3 =	vld [tilespmem:s16+$0xE0]  }
0x109: {  	v8 =	vld [tilespmem:s21+$0xFFFFFFA0];
	[tilespmem:s17+$0x10] =	vst v4;
	v4 =	vmul.f32 v7, v0  }
0x10a: {  	[tilespmem:s17+$0xFFFFFF10] =	vst v2;
	v2 =	vld [tilespmem:s21+$0x20];
	v1 =	vmul.f32 v1, v0  }
0x10b: {  	v7 =	vld [tilespmem:s21+$0xFFFFFF20];
	[tilespmem:s6+$0xFFFFFF50] =	vst v4;
	v4 =	vmul.f32 v5, v0  }
0x10c: {  	v5 =	vmul.f32 v6, v0;
	v6 =	vld [tilespmem:s16+$0xFFFFFF60];
	[tilespmem:s6+$0xFFFFFFD0] =	vst v1  }
0x10d: {  	v1 =	vld [tilespmem:s16+$0xFFFFFFE0];
	[tilespmem:s6+$0x50] =	vst v4;
	v3 =	vmul.f32 v3, v0  }
0x10e: {  	v4 =	vmul.f32 v8, v0;
	[tilespmem:s17+$0xA0] =	vst v5;
	v8 =	vld [tilespmem:s16+$0x60]  }
0x10f: {  	v2 =	vmul.f32 v2, v0;
	v9 =	vld [tilespmem:s21+$0xB0];
	[tilespmem:s6+$0xE0] =	vst v3  }
0x110: {  	v3 =	vmul.f32 v7, v0;
	[tilespmem:s17+$0xFFFFFFA0] =	vst v4;
	v4 =	vld [tilespmem:s16+$0xF0]  }
0x111: {  	v7 =	vld [tilespmem:s21+$0xFFFFFFB0];
	[tilespmem:s17+$0x20] =	vst v2;
	v2 =	vmul.f32 v6, v0  }
.Ltmp4:
0x112: {  	[tilespmem:s17+$0xFFFFFF20] =	vst v3;
	v5 =	vld [tilespmem:s21+$0x30];
	v1 =	vmul.f32 v1, v0;
	(pc) =	sbr.rel @p2 .LBB2_9-.Ltmp4, $4  }
0x113: {  	v6 =	vld [tilespmem:s21+$0xFFFFFF30];
	[tilespmem:s6+$0xFFFFFF60] =	vst v2;
	v3 =	vmul.f32 v8, v0  }
0x114: {  	v8 =	vmul.f32 v9, v0;
	v2 =	vld [tilespmem:s16+$0xFFFFFF70];
	[tilespmem:s6+$0xFFFFFFE0] =	vst v1  }
0x115: {  	v1 =	vld [tilespmem:s16+$0xFFFFFFF0];
	[tilespmem:s6+$0x60] =	vst v3;
	v4 =	vmul.f32 v4, v0  }
0x116: {  	v7 =	vmul.f32 v7, v0;
	[tilespmem:s17+$0xB0] =	vst v8;
	v3 =	vld [tilespmem:s16+$0x70];
	s16 =	smov.u32 s21;
	s21 =	sadd.s32 $0x200, s21  }
0x117: {  	_ = 	snop  }
0x118: {  	v6 =	vmul.f32 v6, v0;
	_ =	sdelay $0x1  }
0x119: {  	v5 =	vmul.f32 v5, v0;
	v8 =	vld [tilespmem:s16+$0xC0];
	[tilespmem:s17+$0xFFFFFF30] =	vst v6  }
0x11a: {  	[tilespmem:s17+$0xFFFFFFB0] =	vst v7;
	v6 =	vld [tilespmem:s16+$0xFFFFFF40]  }
0x11b: {  	[tilespmem:s17+$0x30] =	vst v5;
	v56 =	vld [tilespmem:s16+$0xFFFFFFC0]  }
0x11c: {  	v57 =	vld [tilespmem:s16+$0x40];
	_ =	sdelay $0x1  }
0x11d: {  	v8 =	vmul.f32 v8, v0  }
0x11e: {  	v6 =	vmul.f32 v6, v0  }
0x11f: {  	[tilespmem:s17+$0xC0] =	vst v8;
	v5 =	vmul.f32 v56, v0  }
0x120: {  	v8 =	vld [tilespmem:s16+$0xD0];
	v58 =	vmul.f32 v57, v0;
	[tilespmem:s17+$0xFFFFFF40] =	vst v6  }
0x121: {  	[tilespmem:s17+$0xFFFFFFC0] =	vst v5;
	v59 =	vld [tilespmem:s16+$0xFFFFFF50]  }
0x122: {  	v5 =	vld [tilespmem:s16+$0xFFFFFFD0];
	[tilespmem:s17+$0x40] =	vst v58  }
0x123: {  	v6 =	vld [tilespmem:s16+$0x50];
	_ =	sdelay $0x1  }
0x124: {  	v8 =	vmul.f32 v8, v0  }
0x125: {  	v7 =	vmul.f32 v59, v0  }
0x126: {  	[tilespmem:s17+$0xD0] =	vst v8;
	v5 =	vmul.f32 v5, v0  }
0x127: {  	v8 =	vld [tilespmem:s16+$0xE0];
	v6 =	vmul.f32 v6, v0;
	[tilespmem:s17+$0xFFFFFF50] =	vst v7  }
0x128: {  	[tilespmem:s17+$0xFFFFFFD0] =	vst v5;
	v7 =	vld [tilespmem:s16+$0xFFFFFF60]  }
0x129: {  	v5 =	vld [tilespmem:s16+$0xFFFFFFE0];
	[tilespmem:s17+$0x50] =	vst v6  }
0x12a: {  	v6 =	vld [tilespmem:s16+$0x60];
	_ =	sdelay $0x1  }
0x12b: {  	v8 =	vmul.f32 v8, v0  }
0x12c: {  	v7 =	vmul.f32 v7, v0  }
0x12d: {  	[tilespmem:s17+$0xE0] =	vst v8;
	v5 =	vmul.f32 v5, v0  }
0x12e: {  	v60 =	vld [tilespmem:s16+$0xF0];
	v6 =	vmul.f32 v6, v0;
	[tilespmem:s17+$0xFFFFFF60] =	vst v7  }
0x12f: {  	[tilespmem:s17+$0xFFFFFFE0] =	vst v5;
	v61 =	vld [tilespmem:s16+$0xFFFFFF70]  }
0x130: {  	v2 =	vmul.f32 v2, v0;
	[tilespmem:s17+$0x60] =	vst v6;
	v62 =	vld [tilespmem:s16+$0xFFFFFFF0]  }
0x131: {  	[tilespmem:s6+$0xF0] =	vst v4;
	v1 =	vmul.f32 v1, v0;
	v63 =	vld [tilespmem:s16+$0x70]  }
0x132: {  	[tilespmem:s6+$0xFFFFFF70] =	vst v2;
	v2 =	vmul.f32 v3, v0  }
0x133: {  	[tilespmem:s6+$0xFFFFFFF0] =	vst v1;
	v1 =	vmul.f32 v60, v0  }
0x134: {  	[tilespmem:s6+$0x70] =	vst v2;
	v2 =	vmul.f32 v61, v0  }
.Ltmp5:
0x135: {  	[tilespmem:s17+$0xF0] =	vst v1;
	v1 =	vmul.f32 v62, v0;
	(pc) =	sbr.rel @p1 .LBB2_12-.Ltmp5, $4  }
0x136: {  	s25 =	sadd.s32 s12, s8;
	[tilespmem:s17+$0xFFFFFF70] =	vst v2;
	v2 =	vmul.f32 v63, v0  }
0x137: {  	s6 =	sshll.u32 s25, $0x4;
	[tilespmem:s17+$0xFFFFFFF0] =	vst v1  }
0x138: {  	s6 =	sadd.s32 s3, s6;
	[tilespmem:s17+$0x70] =	vst v2  }
0x139: {  	[hbm4b:s6+s4] =	stream.linear.scatter [tilespmem:s29], [sflag:$0x7], $0x2800, $0x38;
	[tilespmem:$0x1A980] =	vst v63  }
.Ltmp6:
0x13a: {  	(pc) =	sbr.rel .LBB2_13-.Ltmp6, $4  }
0x13b: {  	_ = 	snop  }
0x13c: {  	_ =	swait.ge [sflag:s30], $0x2800  }
0x13d: {  	[sflag:s30] =	ssyncset.done $0x0  }
0x13e: {  	[sflag:s30] =	ssyncadd.s32 $0xFFFFD800  }
.LBB2_12:
0x13f: {  	s6 =	smul.u32 $0x640, s7;
	_ =	sdelay $0x1  }
0x140: {  	s6 =	sshra.s32 s6, $0x2  }
.Ltmp7:
0x141: {  	s16 =	simm.s32 $0x4100;
	s6 =	sadd.s32 $0x1E0, s6;
	(pc) =	sbr.rel @p0 .LBB2_14-.Ltmp7, $4  }
0x142: {  	[tilespmem:s16], [sflag:$0x2] =	stream.indirect.gather [hbm4b:s2+s15], $0x80, s6, s15, $0xb8;
	[tilespmem:$0x1A980] =	vst v63  }
0x143: {  	_ =	swait.ge [sflag:s30], $0x2800  }
0x144: {  	[sflag:s30] =	ssyncset.done $0x0  }
0x145: {  	[sflag:s30] =	ssyncadd.s32 $0xFFFFD800  }
.LBB2_13:
0x146: {  	_ =	swait.ge [sflag:s31], $0x2800  }
0x147: {  	[sflag:s31] =	ssyncset.done $0x0  }
0x148: {  	[sflag:s31] =	ssyncadd.s32 $0xFFFFD800  }
.LBB2_14:
0x149: {  	s25 =	simm.s32 $0x6A00  }
0x14a: {  	v1 =	vld [tilespmem:s25+$0x80];
	_ =	sdelay $0x3  }
0x14b: {  	v2 =	vld [tilespmem:s25+$0xFFFFFF00]  }
0x14c: {  	v3 =	vld [tilespmem:s25+$0xFFFFFF80];
	v1 =	vmul.f32 v1, v0  }
0x14d: {  	s6 =	simm.s32 $0x13200;
	v4 =	vld [tilespmem:s25+$0x0]  }
0x14e: {  	[tilespmem:s6+$0x80] =	vst v1  }
0x14f: {  	v1 =	vld [tilespmem:s25+$0x90]  }
0x150: {  	v2 =	vmul.f32 v2, v0  }
0x151: {  	v3 =	vmul.f32 v3, v0  }
0x152: {  	v4 =	vmul.f32 v4, v0;
	[tilespmem:s6+$0xFFFFFF00] =	vst v2  }
0x153: {  	[tilespmem:s6+$0xFFFFFF80] =	vst v3;
	v2 =	vld [tilespmem:s25+$0xFFFFFF10]  }
0x154: {  	[tilespmem:s6+$0x0] =	vst v4;
	v3 =	vld [tilespmem:s25+$0xFFFFFF90];
	v1 =	vmul.f32 v1, v0  }
0x155: {  	v4 =	vld [tilespmem:s25+$0x10]  }
0x156: {  	[tilespmem:s6+$0x90] =	vst v1  }
0x157: {  	v1 =	vld [tilespmem:s25+$0xA0]  }
0x158: {  	v2 =	vmul.f32 v2, v0  }
0x159: {  	v3 =	vmul.f32 v3, v0  }
0x15a: {  	v4 =	vmul.f32 v4, v0;
	[tilespmem:s6+$0xFFFFFF10] =	vst v2  }
0x15b: {  	[tilespmem:s6+$0xFFFFFF90] =	vst v3;
	v2 =	vld [tilespmem:s25+$0xFFFFFF20]  }
0x15c: {  	[tilespmem:s6+$0x10] =	vst v4;
	v3 =	vld [tilespmem:s25+$0xFFFFFFA0];
	v1 =	vmul.f32 v1, v0  }
0x15d: {  	v4 =	vld [tilespmem:s25+$0x20]  }
0x15e: {  	[tilespmem:s6+$0xA0] =	vst v1  }
0x15f: {  	v1 =	vld [tilespmem:s25+$0xB0]  }
0x160: {  	v2 =	vmul.f32 v2, v0  }
0x161: {  	v3 =	vmul.f32 v3, v0  }
0x162: {  	v4 =	vmul.f32 v4, v0;
	[tilespmem:s6+$0xFFFFFF20] =	vst v2  }
0x163: {  	[tilespmem:s6+$0xFFFFFFA0] =	vst v3;
	v2 =	vld [tilespmem:s25+$0xFFFFFF30]  }
0x164: {  	[tilespmem:s6+$0x20] =	vst v4;
	v3 =	vld [tilespmem:s25+$0xFFFFFFB0];
	v1 =	vmul.f32 v1, v0  }
0x165: {  	s16 =	simm.s32 $0x6C00;
	v4 =	vld [tilespmem:s25+$0x30]  }
0x166: {  	[tilespmem:s6+$0xB0] =	vst v1;
	v1 =	vld [tilespmem:s16+$0x80]  }
0x167: {  	v5 =	vld [tilespmem:s25+$0xC0]  }
0x168: {  	v6 =	vld [tilespmem:s16+$0xFFFFFF80];
	v2 =	vmul.f32 v2, v0  }
0x169: {  	v7 =	vld [tilespmem:s16+$0x0];
	v3 =	vmul.f32 v3, v0  }
0x16a: {  	v4 =	vmul.f32 v4, v0;
	[tilespmem:s6+$0xFFFFFF30] =	vst v2;
	v2 =	vld [tilespmem:s16+$0xFFFFFF00]  }
0x16b: {  	[tilespmem:s6+$0xFFFFFFB0] =	vst v3;
	v3 =	vld [tilespmem:s25+$0xFFFFFF40];
	v1 =	vmul.f32 v1, v0  }
0x16c: {  	s17 =	simm.s32 $0x13400;
	[tilespmem:s6+$0x30] =	vst v4;
	v4 =	vld [tilespmem:s25+$0xFFFFFFC0];
	v5 =	vmul.f32 v5, v0  }
0x16d: {  	v6 =	vmul.f32 v6, v0;
	[tilespmem:s17+$0x80] =	vst v1;
	v1 =	vld [tilespmem:s25+$0x40]  }
0x16e: {  	v7 =	vmul.f32 v7, v0;
	v8 =	vld [tilespmem:s16+$0x90];
	[tilespmem:s6+$0xC0] =	vst v5  }
0x16f: {  	[tilespmem:s17+$0xFFFFFF80] =	vst v6;
	v2 =	vmul.f32 v2, v0;
	v5 =	vld [tilespmem:s25+$0xD0]  }
0x170: {  	[tilespmem:s17+$0x0] =	vst v7;
	v6 =	vld [tilespmem:s16+$0xFFFFFF90];
	v3 =	vmul.f32 v3, v0  }
0x171: {  	v4 =	vmul.f32 v4, v0;
	[tilespmem:s17+$0xFFFFFF00] =	vst v2;
	v2 =	vld [tilespmem:s16+$0x10]  }
0x172: {  	v7 =	vld [tilespmem:s16+$0xFFFFFF10];
	[tilespmem:s6+$0xFFFFFF40] =	vst v3;
	v1 =	vmul.f32 v1, v0  }
0x173: {  	[tilespmem:s6+$0xFFFFFFC0] =	vst v4;
	v3 =	vmul.f32 v8, v0;
	v8 =	vld [tilespmem:s25+$0xFFFFFF50]  }
0x174: {  	v4 =	vld [tilespmem:s25+$0xFFFFFFD0];
	[tilespmem:s6+$0x40] =	vst v1;
	v1 =	vmul.f32 v5, v0  }
0x175: {  	v5 =	vmul.f32 v6, v0;
	[tilespmem:s17+$0x90] =	vst v3;
	v3 =	vld [tilespmem:s25+$0x50]  }
0x176: {  	v2 =	vmul.f32 v2, v0;
	v6 =	vld [tilespmem:s16+$0xA0];
	[tilespmem:s6+$0xD0] =	vst v1  }
0x177: {  	v1 =	vmul.f32 v7, v0;
	[tilespmem:s17+$0xFFFFFF90] =	vst v5;
	v5 =	vld [tilespmem:s25+$0xE0]  }
0x178: {  	[tilespmem:s17+$0x10] =	vst v2;
	v7 =	vld [tilespmem:s16+$0xFFFFFFA0];
	v2 =	vmul.f32 v8, v0  }
0x179: {  	v4 =	vmul.f32 v4, v0;
	[tilespmem:s17+$0xFFFFFF10] =	vst v1;
	v1 =	vld [tilespmem:s16+$0x20]  }
0x17a: {  	v8 =	vld [tilespmem:s16+$0xFFFFFF20];
	[tilespmem:s6+$0xFFFFFF50] =	vst v2;
	v2 =	vmul.f32 v3, v0  }
0x17b: {  	[tilespmem:s6+$0xFFFFFFD0] =	vst v4;
	v3 =	vmul.f32 v6, v0;
	v6 =	vld [tilespmem:s25+$0xFFFFFF60]  }
0x17c: {  	v4 =	vld [tilespmem:s25+$0xFFFFFFE0];
	[tilespmem:s6+$0x50] =	vst v2;
	v2 =	vmul.f32 v5, v0  }
0x17d: {  	v5 =	vmul.f32 v7, v0;
	[tilespmem:s17+$0xA0] =	vst v3;
	v3 =	vld [tilespmem:s25+$0x60]  }
0x17e: {  	v1 =	vmul.f32 v1, v0;
	v7 =	vld [tilespmem:s16+$0xB0];
	[tilespmem:s6+$0xE0] =	vst v2  }
0x17f: {  	v2 =	vmul.f32 v8, v0;
	[tilespmem:s17+$0xFFFFFFA0] =	vst v5;
	v8 =	vld [tilespmem:s25+$0xF0]  }
0x180: {  	v9 =	vld [tilespmem:s16+$0xFFFFFFB0];
	[tilespmem:s17+$0x20] =	vst v1;
	v1 =	vmul.f32 v6, v0  }
0x181: {  	v4 =	vmul.f32 v4, v0;
	[tilespmem:s17+$0xFFFFFF20] =	vst v2;
	v5 =	vld [tilespmem:s16+$0x30]  }
0x182: {  	v6 =	vld [tilespmem:s16+$0xFFFFFF30];
	[tilespmem:s6+$0xFFFFFF60] =	vst v1;
	v3 =	vmul.f32 v3, v0  }
0x183: {  	[tilespmem:s6+$0xFFFFFFE0] =	vst v4;
	v10 =	vmul.f32 v7, v0;
	v2 =	vld [tilespmem:s25+$0xFFFFFF70]  }
0x184: {  	v1 =	vld [tilespmem:s25+$0xFFFFFFF0];
	[tilespmem:s6+$0x60] =	vst v3;
	v4 =	vmul.f32 v8, v0  }
0x185: {  	s19 =	simm.s32 $0x4;
	s21 =	simm.s32 $0x6E00;
	v7 =	vmul.f32 v9, v0;
	[tilespmem:s17+$0xB0] =	vst v10;
	v3 =	vld [tilespmem:s25+$0x70]  }
.LBB2_15:
0x186: {  	v8 =	vld [tilespmem:s21+$0x80];
	v5 =	vmul.f32 v5, v0;
	[tilespmem:s6+$0xF0] =	vst v4  }
0x187: {  	s19 =	sadd.s32 $0x4, s19;
	v4 =	vmul.f32 v6, v0;
	[tilespmem:s17+$0xFFFFFFB0] =	vst v7;
	v6 =	vld [tilespmem:s16+$0xC0]  }
0x188: {  	p2 =	slt.u32 s19, $0x4C;
	v7 =	vld [tilespmem:s21+$0xFFFFFF80];
	[tilespmem:s17+$0x30] =	vst v5;
	v2 =	vmul.f32 v2, v0  }
0x189: {  	v5 =	vld [tilespmem:s21+$0x0];
	[tilespmem:s17+$0xFFFFFF30] =	vst v4;
	v1 =	vmul.f32 v1, v0  }
0x18a: {  	v4 =	vld [tilespmem:s21+$0xFFFFFF00];
	[tilespmem:s6+$0xFFFFFF70] =	vst v2;
	v2 =	vmul.f32 v3, v0  }
0x18b: {  	v3 =	vmul.f32 v8, v0;
	v8 =	vld [tilespmem:s16+$0xFFFFFF40];
	[tilespmem:s6+$0xFFFFFFF0] =	vst v1  }
0x18c: {  	v1 =	vld [tilespmem:s16+$0xFFFFFFC0];
	v6 =	vmul.f32 v6, v0;
	[tilespmem:s6+$0x70] =	vst v2;
	s6 =	smov.u32 s17;
	s17 =	sadd.s32 $0x200, s17  }
0x18d: {  	v2 =	vmul.f32 v7, v0;
	[tilespmem:s17+$0x80] =	vst v3;
	v3 =	vld [tilespmem:s16+$0x40]  }
0x18e: {  	v5 =	vmul.f32 v5, v0;
	v7 =	vld [tilespmem:s21+$0x90];
	[tilespmem:s6+$0xC0] =	vst v6  }
0x18f: {  	v4 =	vmul.f32 v4, v0;
	[tilespmem:s17+$0xFFFFFF80] =	vst v2;
	v2 =	vld [tilespmem:s16+$0xD0]  }
0x190: {  	v6 =	vld [tilespmem:s21+$0xFFFFFF90];
	[tilespmem:s17+$0x0] =	vst v5;
	v5 =	vmul.f32 v8, v0  }
0x191: {  	[tilespmem:s17+$0xFFFFFF00] =	vst v4;
	v4 =	vld [tilespmem:s21+$0x10];
	v1 =	vmul.f32 v1, v0  }
0x192: {  	v8 =	vld [tilespmem:s21+$0xFFFFFF10];
	[tilespmem:s6+$0xFFFFFF40] =	vst v5;
	v3 =	vmul.f32 v3, v0  }
0x193: {  	v5 =	vmul.f32 v7, v0;
	v7 =	vld [tilespmem:s16+$0xFFFFFF50];
	[tilespmem:s6+$0xFFFFFFC0] =	vst v1  }
0x194: {  	v1 =	vld [tilespmem:s16+$0xFFFFFFD0];
	[tilespmem:s6+$0x40] =	vst v3;
	v2 =	vmul.f32 v2, v0  }
0x195: {  	v3 =	vmul.f32 v6, v0;
	[tilespmem:s17+$0x90] =	vst v5;
	v5 =	vld [tilespmem:s16+$0x50]  }
0x196: {  	v4 =	vmul.f32 v4, v0;
	v6 =	vld [tilespmem:s21+$0xA0];
	[tilespmem:s6+$0xD0] =	vst v2  }
0x197: {  	v2 =	vmul.f32 v8, v0;
	[tilespmem:s17+$0xFFFFFF90] =	vst v3;
	v3 =	vld [tilespmem:s16+$0xE0]  }
0x198: {  	v8 =	vld [tilespmem:s21+$0xFFFFFFA0];
	[tilespmem:s17+$0x10] =	vst v4;
	v4 =	vmul.f32 v7, v0  }
0x199: {  	[tilespmem:s17+$0xFFFFFF10] =	vst v2;
	v2 =	vld [tilespmem:s21+$0x20];
	v1 =	vmul.f32 v1, v0  }
0x19a: {  	v7 =	vld [tilespmem:s21+$0xFFFFFF20];
	[tilespmem:s6+$0xFFFFFF50] =	vst v4;
	v4 =	vmul.f32 v5, v0  }
0x19b: {  	v5 =	vmul.f32 v6, v0;
	v6 =	vld [tilespmem:s16+$0xFFFFFF60];
	[tilespmem:s6+$0xFFFFFFD0] =	vst v1  }
0x19c: {  	v1 =	vld [tilespmem:s16+$0xFFFFFFE0];
	[tilespmem:s6+$0x50] =	vst v4;
	v3 =	vmul.f32 v3, v0  }
0x19d: {  	v4 =	vmul.f32 v8, v0;
	[tilespmem:s17+$0xA0] =	vst v5;
	v8 =	vld [tilespmem:s16+$0x60]  }
0x19e: {  	v2 =	vmul.f32 v2, v0;
	v9 =	vld [tilespmem:s21+$0xB0];
	[tilespmem:s6+$0xE0] =	vst v3  }
0x19f: {  	v3 =	vmul.f32 v7, v0;
	[tilespmem:s17+$0xFFFFFFA0] =	vst v4;
	v4 =	vld [tilespmem:s16+$0xF0]  }
0x1a0: {  	v7 =	vld [tilespmem:s21+$0xFFFFFFB0];
	[tilespmem:s17+$0x20] =	vst v2;
	v2 =	vmul.f32 v6, v0  }
.Ltmp8:
0x1a1: {  	[tilespmem:s17+$0xFFFFFF20] =	vst v3;
	v5 =	vld [tilespmem:s21+$0x30];
	v1 =	vmul.f32 v1, v0;
	(pc) =	sbr.rel @p2 .LBB2_15-.Ltmp8, $4  }
0x1a2: {  	v6 =	vld [tilespmem:s21+$0xFFFFFF30];
	[tilespmem:s6+$0xFFFFFF60] =	vst v2;
	v3 =	vmul.f32 v8, v0  }
0x1a3: {  	v8 =	vmul.f32 v9, v0;
	v2 =	vld [tilespmem:s16+$0xFFFFFF70];
	[tilespmem:s6+$0xFFFFFFE0] =	vst v1  }
0x1a4: {  	v1 =	vld [tilespmem:s16+$0xFFFFFFF0];
	[tilespmem:s6+$0x60] =	vst v3;
	v4 =	vmul.f32 v4, v0  }
0x1a5: {  	v7 =	vmul.f32 v7, v0;
	[tilespmem:s17+$0xB0] =	vst v8;
	v3 =	vld [tilespmem:s16+$0x70];
	s16 =	smov.u32 s21;
	s21 =	sadd.s32 $0x200, s21  }
0x1a6: {  	_ = 	snop  }
0x1a7: {  	v6 =	vmul.f32 v6, v0;
	_ =	sdelay $0x1  }
0x1a8: {  	v5 =	vmul.f32 v5, v0;
	v8 =	vld [tilespmem:s16+$0xC0];
	[tilespmem:s17+$0xFFFFFF30] =	vst v6  }
0x1a9: {  	[tilespmem:s17+$0xFFFFFFB0] =	vst v7;
	v6 =	vld [tilespmem:s16+$0xFFFFFF40]  }
0x1aa: {  	[tilespmem:s17+$0x30] =	vst v5;
	v56 =	vld [tilespmem:s16+$0xFFFFFFC0]  }
0x1ab: {  	v57 =	vld [tilespmem:s16+$0x40];
	_ =	sdelay $0x1  }
0x1ac: {  	v8 =	vmul.f32 v8, v0  }
0x1ad: {  	v6 =	vmul.f32 v6, v0  }
0x1ae: {  	[tilespmem:s17+$0xC0] =	vst v8;
	v5 =	vmul.f32 v56, v0  }
0x1af: {  	v8 =	vld [tilespmem:s16+$0xD0];
	v58 =	vmul.f32 v57, v0;
	[tilespmem:s17+$0xFFFFFF40] =	vst v6  }
0x1b0: {  	[tilespmem:s17+$0xFFFFFFC0] =	vst v5;
	v59 =	vld [tilespmem:s16+$0xFFFFFF50]  }
0x1b1: {  	v5 =	vld [tilespmem:s16+$0xFFFFFFD0];
	[tilespmem:s17+$0x40] =	vst v58  }
0x1b2: {  	v6 =	vld [tilespmem:s16+$0x50];
	_ =	sdelay $0x1  }
0x1b3: {  	v8 =	vmul.f32 v8, v0  }
0x1b4: {  	v7 =	vmul.f32 v59, v0  }
0x1b5: {  	[tilespmem:s17+$0xD0] =	vst v8;
	v5 =	vmul.f32 v5, v0  }
0x1b6: {  	v8 =	vld [tilespmem:s16+$0xE0];
	v6 =	vmul.f32 v6, v0;
	[tilespmem:s17+$0xFFFFFF50] =	vst v7  }
0x1b7: {  	[tilespmem:s17+$0xFFFFFFD0] =	vst v5;
	v7 =	vld [tilespmem:s16+$0xFFFFFF60]  }
0x1b8: {  	v5 =	vld [tilespmem:s16+$0xFFFFFFE0];
	[tilespmem:s17+$0x50] =	vst v6  }
0x1b9: {  	v6 =	vld [tilespmem:s16+$0x60];
	_ =	sdelay $0x1  }
0x1ba: {  	v8 =	vmul.f32 v8, v0  }
0x1bb: {  	v7 =	vmul.f32 v7, v0  }
0x1bc: {  	[tilespmem:s17+$0xE0] =	vst v8;
	v5 =	vmul.f32 v5, v0  }
0x1bd: {  	v60 =	vld [tilespmem:s16+$0xF0];
	v6 =	vmul.f32 v6, v0;
	[tilespmem:s17+$0xFFFFFF60] =	vst v7  }
0x1be: {  	[tilespmem:s17+$0xFFFFFFE0] =	vst v5;
	v61 =	vld [tilespmem:s16+$0xFFFFFF70]  }
0x1bf: {  	v2 =	vmul.f32 v2, v0;
	[tilespmem:s17+$0x60] =	vst v6;
	v62 =	vld [tilespmem:s16+$0xFFFFFFF0]  }
0x1c0: {  	[tilespmem:s6+$0xF0] =	vst v4;
	v1 =	vmul.f32 v1, v0;
	v63 =	vld [tilespmem:s16+$0x70]  }
0x1c1: {  	[tilespmem:s6+$0xFFFFFF70] =	vst v2;
	v2 =	vmul.f32 v3, v0  }
0x1c2: {  	[tilespmem:s6+$0xFFFFFFF0] =	vst v1;
	v1 =	vmul.f32 v60, v0  }
0x1c3: {  	[tilespmem:s6+$0x70] =	vst v2;
	v2 =	vmul.f32 v61, v0  }
.Ltmp9:
0x1c4: {  	[tilespmem:s17+$0xF0] =	vst v1;
	v1 =	vmul.f32 v62, v0;
	(pc) =	sbr.rel @p1 .LBB2_18-.Ltmp9, $4  }
0x1c5: {  	s25 =	sadd.s32 s12, s9;
	[tilespmem:s17+$0xFFFFFF70] =	vst v2;
	v2 =	vmul.f32 v63, v0  }
0x1c6: {  	s6 =	sshll.u32 s25, $0x4;
	[tilespmem:s17+$0xFFFFFFF0] =	vst v1  }
0x1c7: {  	s6 =	sadd.s32 s3, s6;
	[tilespmem:s17+$0x70] =	vst v2  }
0x1c8: {  	[hbm4b:s6+s4] =	stream.linear.scatter [tilespmem:s1], [sflag:$0x8], $0x2800, $0x38;
	[tilespmem:$0x1A980] =	vst v63  }
.Ltmp10:
0x1c9: {  	(pc) =	sbr.rel .LBB2_19-.Ltmp10, $4  }
0x1ca: {  	_ = 	snop  }
0x1cb: {  	_ =	swait.ge [sflag:s0], $0x2800  }
0x1cc: {  	[sflag:s0] =	ssyncset.done $0x0  }
0x1cd: {  	[sflag:s0] =	ssyncadd.s32 $0xFFFFD800  }
.LBB2_18:
0x1ce: {  	s6 =	smul.u32 $0x640, s7;
	_ =	sdelay $0x1  }
0x1cf: {  	s6 =	sshra.s32 s6, $0x2  }
.Ltmp11:
0x1d0: {  	s16 =	simm.s32 $0x6900;
	s6 =	sadd.s32 $0x230, s6;
	(pc) =	sbr.rel @p0 .LBB2_20-.Ltmp11, $4  }
0x1d1: {  	[tilespmem:s16], [sflag:$0x3] =	stream.indirect.gather [hbm4b:s2+s15], $0x80, s6, s15, $0xb8;
	[tilespmem:$0x1A980] =	vst v63  }
0x1d2: {  	_ =	swait.ge [sflag:s0], $0x2800  }
0x1d3: {  	[sflag:s0] =	ssyncset.done $0x0  }
0x1d4: {  	[sflag:s0] =	ssyncadd.s32 $0xFFFFD800  }
.LBB2_19:
0x1d5: {  	_ =	swait.ge [sflag:s13], $0x2800  }
0x1d6: {  	[sflag:s13] =	ssyncset.done $0x0  }
0x1d7: {  	[sflag:s13] =	ssyncadd.s32 $0xFFFFD800  }
.LBB2_20:
0x1d8: {  	s25 =	simm.s32 $0x9200  }
0x1d9: {  	v1 =	vld [tilespmem:s25+$0x80];
	_ =	sdelay $0x3  }
0x1da: {  	v2 =	vld [tilespmem:s25+$0xFFFFFF00]  }
0x1db: {  	v3 =	vld [tilespmem:s25+$0xFFFFFF80];
	v1 =	vmul.f32 v1, v0  }
0x1dc: {  	s6 =	simm.s32 $0x15A00;
	v4 =	vld [tilespmem:s25+$0x0]  }
0x1dd: {  	[tilespmem:s6+$0x80] =	vst v1  }
0x1de: {  	v1 =	vld [tilespmem:s25+$0x90]  }
0x1df: {  	v2 =	vmul.f32 v2, v0  }
0x1e0: {  	v3 =	vmul.f32 v3, v0  }
0x1e1: {  	v4 =	vmul.f32 v4, v0;
	[tilespmem:s6+$0xFFFFFF00] =	vst v2  }
0x1e2: {  	[tilespmem:s6+$0xFFFFFF80] =	vst v3;
	v2 =	vld [tilespmem:s25+$0xFFFFFF10]  }
0x1e3: {  	[tilespmem:s6+$0x0] =	vst v4;
	v3 =	vld [tilespmem:s25+$0xFFFFFF90];
	v1 =	vmul.f32 v1, v0  }
0x1e4: {  	v4 =	vld [tilespmem:s25+$0x10]  }
0x1e5: {  	[tilespmem:s6+$0x90] =	vst v1  }
0x1e6: {  	v1 =	vld [tilespmem:s25+$0xA0]  }
0x1e7: {  	v2 =	vmul.f32 v2, v0  }
0x1e8: {  	v3 =	vmul.f32 v3, v0  }
0x1e9: {  	v4 =	vmul.f32 v4, v0;
	[tilespmem:s6+$0xFFFFFF10] =	vst v2  }
0x1ea: {  	[tilespmem:s6+$0xFFFFFF90] =	vst v3;
	v2 =	vld [tilespmem:s25+$0xFFFFFF20]  }
0x1eb: {  	[tilespmem:s6+$0x10] =	vst v4;
	v3 =	vld [tilespmem:s25+$0xFFFFFFA0];
	v1 =	vmul.f32 v1, v0  }
0x1ec: {  	v4 =	vld [tilespmem:s25+$0x20]  }
0x1ed: {  	[tilespmem:s6+$0xA0] =	vst v1  }
0x1ee: {  	v1 =	vld [tilespmem:s25+$0xB0]  }
0x1ef: {  	v2 =	vmul.f32 v2, v0  }
0x1f0: {  	v3 =	vmul.f32 v3, v0  }
0x1f1: {  	v4 =	vmul.f32 v4, v0;
	[tilespmem:s6+$0xFFFFFF20] =	vst v2  }
0x1f2: {  	[tilespmem:s6+$0xFFFFFFA0] =	vst v3;
	v2 =	vld [tilespmem:s25+$0xFFFFFF30]  }
0x1f3: {  	[tilespmem:s6+$0x20] =	vst v4;
	v3 =	vld [tilespmem:s25+$0xFFFFFFB0];
	v1 =	vmul.f32 v1, v0  }
0x1f4: {  	s16 =	simm.s32 $0x9400;
	v4 =	vld [tilespmem:s25+$0x30]  }
0x1f5: {  	[tilespmem:s6+$0xB0] =	vst v1;
	v1 =	vld [tilespmem:s16+$0x80]  }
0x1f6: {  	v5 =	vld [tilespmem:s25+$0xC0]  }
0x1f7: {  	v6 =	vld [tilespmem:s16+$0xFFFFFF80];
	v2 =	vmul.f32 v2, v0  }
0x1f8: {  	v7 =	vld [tilespmem:s16+$0x0];
	v3 =	vmul.f32 v3, v0  }
0x1f9: {  	v4 =	vmul.f32 v4, v0;
	[tilespmem:s6+$0xFFFFFF30] =	vst v2;
	v2 =	vld [tilespmem:s16+$0xFFFFFF00]  }
0x1fa: {  	[tilespmem:s6+$0xFFFFFFB0] =	vst v3;
	v3 =	vld [tilespmem:s25+$0xFFFFFF40];
	v1 =	vmul.f32 v1, v0  }
0x1fb: {  	s17 =	simm.s32 $0x15C00;
	[tilespmem:s6+$0x30] =	vst v4;
	v4 =	vld [tilespmem:s25+$0xFFFFFFC0];
	v5 =	vmul.f32 v5, v0  }
0x1fc: {  	v6 =	vmul.f32 v6, v0;
	[tilespmem:s17+$0x80] =	vst v1;
	v1 =	vld [tilespmem:s25+$0x40]  }
0x1fd: {  	v7 =	vmul.f32 v7, v0;
	v8 =	vld [tilespmem:s16+$0x90];
	[tilespmem:s6+$0xC0] =	vst v5  }
0x1fe: {  	[tilespmem:s17+$0xFFFFFF80] =	vst v6;
	v2 =	vmul.f32 v2, v0;
	v5 =	vld [tilespmem:s25+$0xD0]  }
0x1ff: {  	[tilespmem:s17+$0x0] =	vst v7;
	v6 =	vld [tilespmem:s16+$0xFFFFFF90];
	v3 =	vmul.f32 v3, v0  }
0x200: {  	v4 =	vmul.f32 v4, v0;
	[tilespmem:s17+$0xFFFFFF00] =	vst v2;
	v2 =	vld [tilespmem:s16+$0x10]  }
0x201: {  	v7 =	vld [tilespmem:s16+$0xFFFFFF10];
	[tilespmem:s6+$0xFFFFFF40] =	vst v3;
	v1 =	vmul.f32 v1, v0  }
0x202: {  	[tilespmem:s6+$0xFFFFFFC0] =	vst v4;
	v3 =	vmul.f32 v8, v0;
	v8 =	vld [tilespmem:s25+$0xFFFFFF50]  }
0x203: {  	v4 =	vld [tilespmem:s25+$0xFFFFFFD0];
	[tilespmem:s6+$0x40] =	vst v1;
	v1 =	vmul.f32 v5, v0  }
0x204: {  	v5 =	vmul.f32 v6, v0;
	[tilespmem:s17+$0x90] =	vst v3;
	v3 =	vld [tilespmem:s25+$0x50]  }
0x205: {  	v2 =	vmul.f32 v2, v0;
	v6 =	vld [tilespmem:s16+$0xA0];
	[tilespmem:s6+$0xD0] =	vst v1  }
0x206: {  	v1 =	vmul.f32 v7, v0;
	[tilespmem:s17+$0xFFFFFF90] =	vst v5;
	v5 =	vld [tilespmem:s25+$0xE0]  }
0x207: {  	[tilespmem:s17+$0x10] =	vst v2;
	v7 =	vld [tilespmem:s16+$0xFFFFFFA0];
	v2 =	vmul.f32 v8, v0  }
0x208: {  	v4 =	vmul.f32 v4, v0;
	[tilespmem:s17+$0xFFFFFF10] =	vst v1;
	v1 =	vld [tilespmem:s16+$0x20]  }
0x209: {  	v8 =	vld [tilespmem:s16+$0xFFFFFF20];
	[tilespmem:s6+$0xFFFFFF50] =	vst v2;
	v2 =	vmul.f32 v3, v0  }
0x20a: {  	[tilespmem:s6+$0xFFFFFFD0] =	vst v4;
	v3 =	vmul.f32 v6, v0;
	v6 =	vld [tilespmem:s25+$0xFFFFFF60]  }
0x20b: {  	v4 =	vld [tilespmem:s25+$0xFFFFFFE0];
	[tilespmem:s6+$0x50] =	vst v2;
	v2 =	vmul.f32 v5, v0  }
0x20c: {  	v5 =	vmul.f32 v7, v0;
	[tilespmem:s17+$0xA0] =	vst v3;
	v3 =	vld [tilespmem:s25+$0x60]  }
0x20d: {  	v1 =	vmul.f32 v1, v0;
	v7 =	vld [tilespmem:s16+$0xB0];
	[tilespmem:s6+$0xE0] =	vst v2  }
0x20e: {  	v2 =	vmul.f32 v8, v0;
	[tilespmem:s17+$0xFFFFFFA0] =	vst v5;
	v8 =	vld [tilespmem:s25+$0xF0]  }
0x20f: {  	v9 =	vld [tilespmem:s16+$0xFFFFFFB0];
	[tilespmem:s17+$0x20] =	vst v1;
	v1 =	vmul.f32 v6, v0  }
0x210: {  	v4 =	vmul.f32 v4, v0;
	[tilespmem:s17+$0xFFFFFF20] =	vst v2;
	v5 =	vld [tilespmem:s16+$0x30]  }
0x211: {  	v6 =	vld [tilespmem:s16+$0xFFFFFF30];
	[tilespmem:s6+$0xFFFFFF60] =	vst v1;
	v3 =	vmul.f32 v3, v0  }
0x212: {  	[tilespmem:s6+$0xFFFFFFE0] =	vst v4;
	v10 =	vmul.f32 v7, v0;
	v2 =	vld [tilespmem:s25+$0xFFFFFF70]  }
0x213: {  	v1 =	vld [tilespmem:s25+$0xFFFFFFF0];
	[tilespmem:s6+$0x60] =	vst v3;
	v4 =	vmul.f32 v8, v0  }
0x214: {  	s19 =	simm.s32 $0x4;
	s21 =	simm.s32 $0x9600;
	v7 =	vmul.f32 v9, v0;
	[tilespmem:s17+$0xB0] =	vst v10;
	v3 =	vld [tilespmem:s25+$0x70]  }
.LBB2_21:
0x215: {  	v8 =	vld [tilespmem:s21+$0x80];
	v5 =	vmul.f32 v5, v0;
	[tilespmem:s6+$0xF0] =	vst v4  }
0x216: {  	s19 =	sadd.s32 $0x4, s19;
	v4 =	vmul.f32 v6, v0;
	[tilespmem:s17+$0xFFFFFFB0] =	vst v7;
	v6 =	vld [tilespmem:s16+$0xC0]  }
0x217: {  	p2 =	slt.u32 s19, $0x4C;
	v7 =	vld [tilespmem:s21+$0xFFFFFF80];
	[tilespmem:s17+$0x30] =	vst v5;
	v2 =	vmul.f32 v2, v0  }
0x218: {  	v5 =	vld [tilespmem:s21+$0x0];
	[tilespmem:s17+$0xFFFFFF30] =	vst v4;
	v1 =	vmul.f32 v1, v0  }
0x219: {  	v4 =	vld [tilespmem:s21+$0xFFFFFF00];
	[tilespmem:s6+$0xFFFFFF70] =	vst v2;
	v2 =	vmul.f32 v3, v0  }
0x21a: {  	v3 =	vmul.f32 v8, v0;
	v8 =	vld [tilespmem:s16+$0xFFFFFF40];
	[tilespmem:s6+$0xFFFFFFF0] =	vst v1  }
0x21b: {  	v1 =	vld [tilespmem:s16+$0xFFFFFFC0];
	v6 =	vmul.f32 v6, v0;
	[tilespmem:s6+$0x70] =	vst v2;
	s6 =	smov.u32 s17;
	s17 =	sadd.s32 $0x200, s17  }
0x21c: {  	v2 =	vmul.f32 v7, v0;
	[tilespmem:s17+$0x80] =	vst v3;
	v3 =	vld [tilespmem:s16+$0x40]  }
0x21d: {  	v5 =	vmul.f32 v5, v0;
	v7 =	vld [tilespmem:s21+$0x90];
	[tilespmem:s6+$0xC0] =	vst v6  }
0x21e: {  	v4 =	vmul.f32 v4, v0;
	[tilespmem:s17+$0xFFFFFF80] =	vst v2;
	v2 =	vld [tilespmem:s16+$0xD0]  }
0x21f: {  	v6 =	vld [tilespmem:s21+$0xFFFFFF90];
	[tilespmem:s17+$0x0] =	vst v5;
	v5 =	vmul.f32 v8, v0  }
0x220: {  	[tilespmem:s17+$0xFFFFFF00] =	vst v4;
	v4 =	vld [tilespmem:s21+$0x10];
	v1 =	vmul.f32 v1, v0  }
0x221: {  	v8 =	vld [tilespmem:s21+$0xFFFFFF10];
	[tilespmem:s6+$0xFFFFFF40] =	vst v5;
	v3 =	vmul.f32 v3, v0  }
0x222: {  	v5 =	vmul.f32 v7, v0;
	v7 =	vld [tilespmem:s16+$0xFFFFFF50];
	[tilespmem:s6+$0xFFFFFFC0] =	vst v1  }
0x223: {  	v1 =	vld [tilespmem:s16+$0xFFFFFFD0];
	[tilespmem:s6+$0x40] =	vst v3;
	v2 =	vmul.f32 v2, v0  }
0x224: {  	v3 =	vmul.f32 v6, v0;
	[tilespmem:s17+$0x90] =	vst v5;
	v5 =	vld [tilespmem:s16+$0x50]  }
0x225: {  	v4 =	vmul.f32 v4, v0;
	v6 =	vld [tilespmem:s21+$0xA0];
	[tilespmem:s6+$0xD0] =	vst v2  }
0x226: {  	v2 =	vmul.f32 v8, v0;
	[tilespmem:s17+$0xFFFFFF90] =	vst v3;
	v3 =	vld [tilespmem:s16+$0xE0]  }
0x227: {  	v8 =	vld [tilespmem:s21+$0xFFFFFFA0];
	[tilespmem:s17+$0x10] =	vst v4;
	v4 =	vmul.f32 v7, v0  }
0x228: {  	[tilespmem:s17+$0xFFFFFF10] =	vst v2;
	v2 =	vld [tilespmem:s21+$0x20];
	v1 =	vmul.f32 v1, v0  }
0x229: {  	v7 =	vld [tilespmem:s21+$0xFFFFFF20];
	[tilespmem:s6+$0xFFFFFF50] =	vst v4;
	v4 =	vmul.f32 v5, v0  }
0x22a: {  	v5 =	vmul.f32 v6, v0;
	v6 =	vld [tilespmem:s16+$0xFFFFFF60];
	[tilespmem:s6+$0xFFFFFFD0] =	vst v1  }
0x22b: {  	v1 =	vld [tilespmem:s16+$0xFFFFFFE0];
	[tilespmem:s6+$0x50] =	vst v4;
	v3 =	vmul.f32 v3, v0  }
0x22c: {  	v4 =	vmul.f32 v8, v0;
	[tilespmem:s17+$0xA0] =	vst v5;
	v8 =	vld [tilespmem:s16+$0x60]  }
0x22d: {  	v2 =	vmul.f32 v2, v0;
	v9 =	vld [tilespmem:s21+$0xB0];
	[tilespmem:s6+$0xE0] =	vst v3  }
0x22e: {  	v3 =	vmul.f32 v7, v0;
	[tilespmem:s17+$0xFFFFFFA0] =	vst v4;
	v4 =	vld [tilespmem:s16+$0xF0]  }
0x22f: {  	v7 =	vld [tilespmem:s21+$0xFFFFFFB0];
	[tilespmem:s17+$0x20] =	vst v2;
	v2 =	vmul.f32 v6, v0  }
.Ltmp12:
0x230: {  	[tilespmem:s17+$0xFFFFFF20] =	vst v3;
	v5 =	vld [tilespmem:s21+$0x30];
	v1 =	vmul.f32 v1, v0;
	(pc) =	sbr.rel @p2 .LBB2_21-.Ltmp12, $4  }
0x231: {  	v6 =	vld [tilespmem:s21+$0xFFFFFF30];
	[tilespmem:s6+$0xFFFFFF60] =	vst v2;
	v3 =	vmul.f32 v8, v0  }
0x232: {  	v8 =	vmul.f32 v9, v0;
	v2 =	vld [tilespmem:s16+$0xFFFFFF70];
	[tilespmem:s6+$0xFFFFFFE0] =	vst v1  }
0x233: {  	v1 =	vld [tilespmem:s16+$0xFFFFFFF0];
	[tilespmem:s6+$0x60] =	vst v3;
	v4 =	vmul.f32 v4, v0  }
0x234: {  	v7 =	vmul.f32 v7, v0;
	[tilespmem:s17+$0xB0] =	vst v8;
	v3 =	vld [tilespmem:s16+$0x70];
	s16 =	smov.u32 s21;
	s21 =	sadd.s32 $0x200, s21  }
0x235: {  	_ = 	snop  }
0x236: {  	v6 =	vmul.f32 v6, v0;
	_ =	sdelay $0x1  }
0x237: {  	v5 =	vmul.f32 v5, v0;
	v8 =	vld [tilespmem:s16+$0xC0];
	[tilespmem:s17+$0xFFFFFF30] =	vst v6  }
0x238: {  	[tilespmem:s17+$0xFFFFFFB0] =	vst v7;
	v6 =	vld [tilespmem:s16+$0xFFFFFF40]  }
0x239: {  	[tilespmem:s17+$0x30] =	vst v5;
	v56 =	vld [tilespmem:s16+$0xFFFFFFC0]  }
0x23a: {  	v57 =	vld [tilespmem:s16+$0x40];
	_ =	sdelay $0x1  }
0x23b: {  	v8 =	vmul.f32 v8, v0  }
0x23c: {  	v6 =	vmul.f32 v6, v0  }
0x23d: {  	[tilespmem:s17+$0xC0] =	vst v8;
	v5 =	vmul.f32 v56, v0  }
0x23e: {  	v8 =	vld [tilespmem:s16+$0xD0];
	v58 =	vmul.f32 v57, v0;
	[tilespmem:s17+$0xFFFFFF40] =	vst v6  }
0x23f: {  	[tilespmem:s17+$0xFFFFFFC0] =	vst v5;
	v59 =	vld [tilespmem:s16+$0xFFFFFF50]  }
0x240: {  	v5 =	vld [tilespmem:s16+$0xFFFFFFD0];
	[tilespmem:s17+$0x40] =	vst v58  }
0x241: {  	v6 =	vld [tilespmem:s16+$0x50];
	_ =	sdelay $0x1  }
0x242: {  	v8 =	vmul.f32 v8, v0  }
0x243: {  	v7 =	vmul.f32 v59, v0  }
0x244: {  	[tilespmem:s17+$0xD0] =	vst v8;
	v5 =	vmul.f32 v5, v0  }
0x245: {  	v8 =	vld [tilespmem:s16+$0xE0];
	v6 =	vmul.f32 v6, v0;
	[tilespmem:s17+$0xFFFFFF50] =	vst v7  }
0x246: {  	[tilespmem:s17+$0xFFFFFFD0] =	vst v5;
	v7 =	vld [tilespmem:s16+$0xFFFFFF60]  }
0x247: {  	v5 =	vld [tilespmem:s16+$0xFFFFFFE0];
	[tilespmem:s17+$0x50] =	vst v6  }
0x248: {  	v6 =	vld [tilespmem:s16+$0x60];
	_ =	sdelay $0x1  }
0x249: {  	v8 =	vmul.f32 v8, v0  }
0x24a: {  	v7 =	vmul.f32 v7, v0  }
0x24b: {  	[tilespmem:s17+$0xE0] =	vst v8;
	v5 =	vmul.f32 v5, v0  }
0x24c: {  	v60 =	vld [tilespmem:s16+$0xF0];
	v6 =	vmul.f32 v6, v0;
	[tilespmem:s17+$0xFFFFFF60] =	vst v7  }
0x24d: {  	[tilespmem:s17+$0xFFFFFFE0] =	vst v5;
	v61 =	vld [tilespmem:s16+$0xFFFFFF70]  }
0x24e: {  	v2 =	vmul.f32 v2, v0;
	[tilespmem:s17+$0x60] =	vst v6;
	v62 =	vld [tilespmem:s16+$0xFFFFFFF0]  }
0x24f: {  	[tilespmem:s6+$0xF0] =	vst v4;
	v1 =	vmul.f32 v1, v0;
	v63 =	vld [tilespmem:s16+$0x70]  }
0x250: {  	[tilespmem:s6+$0xFFFFFF70] =	vst v2;
	v2 =	vmul.f32 v3, v0  }
0x251: {  	[tilespmem:s6+$0xFFFFFFF0] =	vst v1;
	v1 =	vmul.f32 v60, v0  }
0x252: {  	[tilespmem:s6+$0x70] =	vst v2;
	v2 =	vmul.f32 v61, v0  }
.Ltmp13:
0x253: {  	[tilespmem:s17+$0xF0] =	vst v1;
	v1 =	vmul.f32 v62, v0;
	(pc) =	sbr.rel @p1 .LBB2_24-.Ltmp13, $4  }
0x254: {  	s25 =	sadd.s32 s12, s10;
	[tilespmem:s17+$0xFFFFFF70] =	vst v2;
	v2 =	vmul.f32 v63, v0  }
0x255: {  	s6 =	sshll.u32 s25, $0x4;
	[tilespmem:s17+$0xFFFFFFF0] =	vst v1  }
0x256: {  	s6 =	sadd.s32 s3, s6;
	[tilespmem:s17+$0x70] =	vst v2  }
0x257: {  	[hbm4b:s6+s4] =	stream.linear.scatter [tilespmem:s18], [sflag:$0x9], $0x2800, $0x38;
	[tilespmem:$0x1A980] =	vst v63  }
.Ltmp14:
0x258: {  	(pc) =	sbr.rel .LBB2_25-.Ltmp14, $4  }
0x259: {  	_ = 	snop  }
0x25a: {  	_ =	swait.ge [sflag:s20], $0x2800  }
0x25b: {  	[sflag:s20] =	ssyncset.done $0x0  }
0x25c: {  	[sflag:s20] =	ssyncadd.s32 $0xFFFFD800  }
.LBB2_24:
0x25d: {  	s6 =	smul.u32 $0x640, s7;
	_ =	sdelay $0x1  }
0x25e: {  	s6 =	sshra.s32 s6, $0x2  }
.Ltmp15:
0x25f: {  	s16 =	simm.s32 $0x9100;
	s6 =	sadd.s32 $0x280, s6;
	(pc) =	sbr.rel @p0 .LBB2_26-.Ltmp15, $4  }
0x260: {  	[tilespmem:s16], [sflag:$0x4] =	stream.indirect.gather [hbm4b:s2+s15], $0x80, s6, s15, $0xb8;
	[tilespmem:$0x1A980] =	vst v63  }
0x261: {  	_ =	swait.ge [sflag:s20], $0x2800  }
0x262: {  	[sflag:s20] =	ssyncset.done $0x0  }
0x263: {  	[sflag:s20] =	ssyncadd.s32 $0xFFFFD800  }
.LBB2_25:
0x264: {  	_ =	swait.ge [sflag:s22], $0x2800  }
0x265: {  	[sflag:s22] =	ssyncset.done $0x0  }
0x266: {  	[sflag:s22] =	ssyncadd.s32 $0xFFFFD800  }
.LBB2_26:
0x267: {  	s25 =	simm.s32 $0xBA00  }
0x268: {  	v1 =	vld [tilespmem:s25+$0x80];
	_ =	sdelay $0x3  }
0x269: {  	v2 =	vld [tilespmem:s25+$0xFFFFFF00]  }
0x26a: {  	v3 =	vld [tilespmem:s25+$0xFFFFFF80];
	v1 =	vmul.f32 v1, v0  }
0x26b: {  	s6 =	simm.s32 $0x18200;
	v4 =	vld [tilespmem:s25+$0x0]  }
0x26c: {  	[tilespmem:s6+$0x80] =	vst v1  }
0x26d: {  	v1 =	vld [tilespmem:s25+$0x90]  }
0x26e: {  	v2 =	vmul.f32 v2, v0  }
0x26f: {  	v3 =	vmul.f32 v3, v0  }
0x270: {  	v4 =	vmul.f32 v4, v0;
	[tilespmem:s6+$0xFFFFFF00] =	vst v2  }
0x271: {  	[tilespmem:s6+$0xFFFFFF80] =	vst v3;
	v2 =	vld [tilespmem:s25+$0xFFFFFF10]  }
0x272: {  	[tilespmem:s6+$0x0] =	vst v4;
	v3 =	vld [tilespmem:s25+$0xFFFFFF90];
	v1 =	vmul.f32 v1, v0  }
0x273: {  	v4 =	vld [tilespmem:s25+$0x10]  }
0x274: {  	[tilespmem:s6+$0x90] =	vst v1  }
0x275: {  	v1 =	vld [tilespmem:s25+$0xA0]  }
0x276: {  	v2 =	vmul.f32 v2, v0  }
0x277: {  	v3 =	vmul.f32 v3, v0  }
0x278: {  	v4 =	vmul.f32 v4, v0;
	[tilespmem:s6+$0xFFFFFF10] =	vst v2  }
0x279: {  	[tilespmem:s6+$0xFFFFFF90] =	vst v3;
	v2 =	vld [tilespmem:s25+$0xFFFFFF20]  }
0x27a: {  	[tilespmem:s6+$0x10] =	vst v4;
	v3 =	vld [tilespmem:s25+$0xFFFFFFA0];
	v1 =	vmul.f32 v1, v0  }
0x27b: {  	v4 =	vld [tilespmem:s25+$0x20]  }
0x27c: {  	[tilespmem:s6+$0xA0] =	vst v1  }
0x27d: {  	v1 =	vld [tilespmem:s25+$0xB0]  }
0x27e: {  	v2 =	vmul.f32 v2, v0  }
0x27f: {  	v3 =	vmul.f32 v3, v0  }
0x280: {  	v4 =	vmul.f32 v4, v0;
	[tilespmem:s6+$0xFFFFFF20] =	vst v2  }
0x281: {  	[tilespmem:s6+$0xFFFFFFA0] =	vst v3;
	v2 =	vld [tilespmem:s25+$0xFFFFFF30]  }
0x282: {  	[tilespmem:s6+$0x20] =	vst v4;
	v3 =	vld [tilespmem:s25+$0xFFFFFFB0];
	v1 =	vmul.f32 v1, v0  }
0x283: {  	s16 =	simm.s32 $0xBC00;
	v4 =	vld [tilespmem:s25+$0x30]  }
0x284: {  	[tilespmem:s6+$0xB0] =	vst v1;
	v1 =	vld [tilespmem:s16+$0x80]  }
0x285: {  	v5 =	vld [tilespmem:s25+$0xC0]  }
0x286: {  	v6 =	vld [tilespmem:s16+$0xFFFFFF80];
	v2 =	vmul.f32 v2, v0  }
0x287: {  	v7 =	vld [tilespmem:s16+$0x0];
	v3 =	vmul.f32 v3, v0  }
0x288: {  	v4 =	vmul.f32 v4, v0;
	[tilespmem:s6+$0xFFFFFF30] =	vst v2;
	v2 =	vld [tilespmem:s16+$0xFFFFFF00]  }
0x289: {  	[tilespmem:s6+$0xFFFFFFB0] =	vst v3;
	v3 =	vld [tilespmem:s25+$0xFFFFFF40];
	v1 =	vmul.f32 v1, v0  }
0x28a: {  	s17 =	simm.s32 $0x18400;
	[tilespmem:s6+$0x30] =	vst v4;
	v4 =	vld [tilespmem:s25+$0xFFFFFFC0];
	v5 =	vmul.f32 v5, v0  }
0x28b: {  	v6 =	vmul.f32 v6, v0;
	[tilespmem:s17+$0x80] =	vst v1;
	v1 =	vld [tilespmem:s25+$0x40]  }
0x28c: {  	v7 =	vmul.f32 v7, v0;
	v8 =	vld [tilespmem:s16+$0x90];
	[tilespmem:s6+$0xC0] =	vst v5  }
0x28d: {  	[tilespmem:s17+$0xFFFFFF80] =	vst v6;
	v2 =	vmul.f32 v2, v0;
	v5 =	vld [tilespmem:s25+$0xD0]  }
0x28e: {  	[tilespmem:s17+$0x0] =	vst v7;
	v6 =	vld [tilespmem:s16+$0xFFFFFF90];
	v3 =	vmul.f32 v3, v0  }
0x28f: {  	v4 =	vmul.f32 v4, v0;
	[tilespmem:s17+$0xFFFFFF00] =	vst v2;
	v2 =	vld [tilespmem:s16+$0x10]  }
0x290: {  	v7 =	vld [tilespmem:s16+$0xFFFFFF10];
	[tilespmem:s6+$0xFFFFFF40] =	vst v3;
	v1 =	vmul.f32 v1, v0  }
0x291: {  	[tilespmem:s6+$0xFFFFFFC0] =	vst v4;
	v3 =	vmul.f32 v8, v0;
	v8 =	vld [tilespmem:s25+$0xFFFFFF50]  }
0x292: {  	v4 =	vld [tilespmem:s25+$0xFFFFFFD0];
	[tilespmem:s6+$0x40] =	vst v1;
	v1 =	vmul.f32 v5, v0  }
0x293: {  	v5 =	vmul.f32 v6, v0;
	[tilespmem:s17+$0x90] =	vst v3;
	v3 =	vld [tilespmem:s25+$0x50]  }
0x294: {  	v2 =	vmul.f32 v2, v0;
	v6 =	vld [tilespmem:s16+$0xA0];
	[tilespmem:s6+$0xD0] =	vst v1  }
0x295: {  	v1 =	vmul.f32 v7, v0;
	[tilespmem:s17+$0xFFFFFF90] =	vst v5;
	v5 =	vld [tilespmem:s25+$0xE0]  }
0x296: {  	[tilespmem:s17+$0x10] =	vst v2;
	v7 =	vld [tilespmem:s16+$0xFFFFFFA0];
	v2 =	vmul.f32 v8, v0  }
0x297: {  	v4 =	vmul.f32 v4, v0;
	[tilespmem:s17+$0xFFFFFF10] =	vst v1;
	v1 =	vld [tilespmem:s16+$0x20]  }
0x298: {  	v8 =	vld [tilespmem:s16+$0xFFFFFF20];
	[tilespmem:s6+$0xFFFFFF50] =	vst v2;
	v2 =	vmul.f32 v3, v0  }
0x299: {  	[tilespmem:s6+$0xFFFFFFD0] =	vst v4;
	v3 =	vmul.f32 v6, v0;
	v6 =	vld [tilespmem:s25+$0xFFFFFF60]  }
0x29a: {  	v4 =	vld [tilespmem:s25+$0xFFFFFFE0];
	[tilespmem:s6+$0x50] =	vst v2;
	v2 =	vmul.f32 v5, v0  }
0x29b: {  	v5 =	vmul.f32 v7, v0;
	[tilespmem:s17+$0xA0] =	vst v3;
	v3 =	vld [tilespmem:s25+$0x60]  }
0x29c: {  	v1 =	vmul.f32 v1, v0;
	v7 =	vld [tilespmem:s16+$0xB0];
	[tilespmem:s6+$0xE0] =	vst v2  }
0x29d: {  	v2 =	vmul.f32 v8, v0;
	[tilespmem:s17+$0xFFFFFFA0] =	vst v5;
	v8 =	vld [tilespmem:s25+$0xF0]  }
0x29e: {  	v9 =	vld [tilespmem:s16+$0xFFFFFFB0];
	[tilespmem:s17+$0x20] =	vst v1;
	v1 =	vmul.f32 v6, v0  }
0x29f: {  	v4 =	vmul.f32 v4, v0;
	[tilespmem:s17+$0xFFFFFF20] =	vst v2;
	v5 =	vld [tilespmem:s16+$0x30]  }
0x2a0: {  	v6 =	vld [tilespmem:s16+$0xFFFFFF30];
	[tilespmem:s6+$0xFFFFFF60] =	vst v1;
	v3 =	vmul.f32 v3, v0  }
0x2a1: {  	[tilespmem:s6+$0xFFFFFFE0] =	vst v4;
	v10 =	vmul.f32 v7, v0;
	v2 =	vld [tilespmem:s25+$0xFFFFFF70]  }
0x2a2: {  	v1 =	vld [tilespmem:s25+$0xFFFFFFF0];
	[tilespmem:s6+$0x60] =	vst v3;
	v4 =	vmul.f32 v8, v0  }
0x2a3: {  	s19 =	simm.s32 $0x4;
	s21 =	simm.s32 $0xBE00;
	v7 =	vmul.f32 v9, v0;
	[tilespmem:s17+$0xB0] =	vst v10;
	v3 =	vld [tilespmem:s25+$0x70]  }
.LBB2_27:
0x2a4: {  	v8 =	vld [tilespmem:s21+$0x80];
	v5 =	vmul.f32 v5, v0;
	[tilespmem:s6+$0xF0] =	vst v4  }
0x2a5: {  	s19 =	sadd.s32 $0x4, s19;
	v4 =	vmul.f32 v6, v0;
	[tilespmem:s17+$0xFFFFFFB0] =	vst v7;
	v6 =	vld [tilespmem:s16+$0xC0]  }
0x2a6: {  	p0 =	slt.u32 s19, $0x4C;
	v7 =	vld [tilespmem:s21+$0xFFFFFF80];
	[tilespmem:s17+$0x30] =	vst v5;
	v2 =	vmul.f32 v2, v0  }
0x2a7: {  	v5 =	vld [tilespmem:s21+$0x0];
	[tilespmem:s17+$0xFFFFFF30] =	vst v4;
	v1 =	vmul.f32 v1, v0  }
0x2a8: {  	v4 =	vld [tilespmem:s21+$0xFFFFFF00];
	[tilespmem:s6+$0xFFFFFF70] =	vst v2;
	v2 =	vmul.f32 v3, v0  }
0x2a9: {  	v3 =	vmul.f32 v8, v0;
	v8 =	vld [tilespmem:s16+$0xFFFFFF40];
	[tilespmem:s6+$0xFFFFFFF0] =	vst v1  }
0x2aa: {  	v1 =	vld [tilespmem:s16+$0xFFFFFFC0];
	v6 =	vmul.f32 v6, v0;
	[tilespmem:s6+$0x70] =	vst v2;
	s6 =	smov.u32 s17;
	s17 =	sadd.s32 $0x200, s17  }
0x2ab: {  	v2 =	vmul.f32 v7, v0;
	[tilespmem:s17+$0x80] =	vst v3;
	v3 =	vld [tilespmem:s16+$0x40]  }
0x2ac: {  	v5 =	vmul.f32 v5, v0;
	v7 =	vld [tilespmem:s21+$0x90];
	[tilespmem:s6+$0xC0] =	vst v6  }
0x2ad: {  	v4 =	vmul.f32 v4, v0;
	[tilespmem:s17+$0xFFFFFF80] =	vst v2;
	v2 =	vld [tilespmem:s16+$0xD0]  }
0x2ae: {  	v6 =	vld [tilespmem:s21+$0xFFFFFF90];
	[tilespmem:s17+$0x0] =	vst v5;
	v5 =	vmul.f32 v8, v0  }
0x2af: {  	[tilespmem:s17+$0xFFFFFF00] =	vst v4;
	v4 =	vld [tilespmem:s21+$0x10];
	v1 =	vmul.f32 v1, v0  }
0x2b0: {  	v8 =	vld [tilespmem:s21+$0xFFFFFF10];
	[tilespmem:s6+$0xFFFFFF40] =	vst v5;
	v3 =	vmul.f32 v3, v0  }
0x2b1: {  	v5 =	vmul.f32 v7, v0;
	v7 =	vld [tilespmem:s16+$0xFFFFFF50];
	[tilespmem:s6+$0xFFFFFFC0] =	vst v1  }
0x2b2: {  	v1 =	vld [tilespmem:s16+$0xFFFFFFD0];
	[tilespmem:s6+$0x40] =	vst v3;
	v2 =	vmul.f32 v2, v0  }
0x2b3: {  	v3 =	vmul.f32 v6, v0;
	[tilespmem:s17+$0x90] =	vst v5;
	v5 =	vld [tilespmem:s16+$0x50]  }
0x2b4: {  	v4 =	vmul.f32 v4, v0;
	v6 =	vld [tilespmem:s21+$0xA0];
	[tilespmem:s6+$0xD0] =	vst v2  }
0x2b5: {  	v2 =	vmul.f32 v8, v0;
	[tilespmem:s17+$0xFFFFFF90] =	vst v3;
	v3 =	vld [tilespmem:s16+$0xE0]  }
0x2b6: {  	v8 =	vld [tilespmem:s21+$0xFFFFFFA0];
	[tilespmem:s17+$0x10] =	vst v4;
	v4 =	vmul.f32 v7, v0  }
0x2b7: {  	[tilespmem:s17+$0xFFFFFF10] =	vst v2;
	v2 =	vld [tilespmem:s21+$0x20];
	v1 =	vmul.f32 v1, v0  }
0x2b8: {  	v7 =	vld [tilespmem:s21+$0xFFFFFF20];
	[tilespmem:s6+$0xFFFFFF50] =	vst v4;
	v4 =	vmul.f32 v5, v0  }
0x2b9: {  	v5 =	vmul.f32 v6, v0;
	v6 =	vld [tilespmem:s16+$0xFFFFFF60];
	[tilespmem:s6+$0xFFFFFFD0] =	vst v1  }
0x2ba: {  	v1 =	vld [tilespmem:s16+$0xFFFFFFE0];
	[tilespmem:s6+$0x50] =	vst v4;
	v3 =	vmul.f32 v3, v0  }
0x2bb: {  	v4 =	vmul.f32 v8, v0;
	[tilespmem:s17+$0xA0] =	vst v5;
	v8 =	vld [tilespmem:s16+$0x60]  }
0x2bc: {  	v2 =	vmul.f32 v2, v0;
	v9 =	vld [tilespmem:s21+$0xB0];
	[tilespmem:s6+$0xE0] =	vst v3  }
0x2bd: {  	v3 =	vmul.f32 v7, v0;
	[tilespmem:s17+$0xFFFFFFA0] =	vst v4;
	v4 =	vld [tilespmem:s16+$0xF0]  }
0x2be: {  	v7 =	vld [tilespmem:s21+$0xFFFFFFB0];
	[tilespmem:s17+$0x20] =	vst v2;
	v2 =	vmul.f32 v6, v0  }
.Ltmp16:
0x2bf: {  	[tilespmem:s17+$0xFFFFFF20] =	vst v3;
	v5 =	vld [tilespmem:s21+$0x30];
	v1 =	vmul.f32 v1, v0;
	(pc) =	sbr.rel @p0 .LBB2_27-.Ltmp16, $4  }
0x2c0: {  	v6 =	vld [tilespmem:s21+$0xFFFFFF30];
	[tilespmem:s6+$0xFFFFFF60] =	vst v2;
	v3 =	vmul.f32 v8, v0  }
0x2c1: {  	v8 =	vmul.f32 v9, v0;
	v2 =	vld [tilespmem:s16+$0xFFFFFF70];
	[tilespmem:s6+$0xFFFFFFE0] =	vst v1  }
0x2c2: {  	v1 =	vld [tilespmem:s16+$0xFFFFFFF0];
	[tilespmem:s6+$0x60] =	vst v3;
	v4 =	vmul.f32 v4, v0  }
0x2c3: {  	v7 =	vmul.f32 v7, v0;
	[tilespmem:s17+$0xB0] =	vst v8;
	v3 =	vld [tilespmem:s16+$0x70];
	s16 =	smov.u32 s21;
	s21 =	sadd.s32 $0x200, s21  }
0x2c4: {  	_ = 	snop  }
0x2c5: {  	v6 =	vmul.f32 v6, v0;
	_ =	sdelay $0x1  }
0x2c6: {  	v5 =	vmul.f32 v5, v0;
	v8 =	vld [tilespmem:s16+$0xC0];
	[tilespmem:s17+$0xFFFFFF30] =	vst v6  }
0x2c7: {  	[tilespmem:s17+$0xFFFFFFB0] =	vst v7;
	v6 =	vld [tilespmem:s16+$0xFFFFFF40]  }
0x2c8: {  	[tilespmem:s17+$0x30] =	vst v5;
	v56 =	vld [tilespmem:s16+$0xFFFFFFC0]  }
0x2c9: {  	v57 =	vld [tilespmem:s16+$0x40];
	_ =	sdelay $0x1  }
0x2ca: {  	v8 =	vmul.f32 v8, v0  }
0x2cb: {  	v6 =	vmul.f32 v6, v0  }
0x2cc: {  	[tilespmem:s17+$0xC0] =	vst v8;
	v5 =	vmul.f32 v56, v0  }
0x2cd: {  	v8 =	vld [tilespmem:s16+$0xD0];
	v58 =	vmul.f32 v57, v0;
	[tilespmem:s17+$0xFFFFFF40] =	vst v6  }
0x2ce: {  	[tilespmem:s17+$0xFFFFFFC0] =	vst v5;
	v59 =	vld [tilespmem:s16+$0xFFFFFF50]  }
0x2cf: {  	v5 =	vld [tilespmem:s16+$0xFFFFFFD0];
	[tilespmem:s17+$0x40] =	vst v58  }
0x2d0: {  	v6 =	vld [tilespmem:s16+$0x50];
	_ =	sdelay $0x1  }
0x2d1: {  	v8 =	vmul.f32 v8, v0  }
0x2d2: {  	v7 =	vmul.f32 v59, v0  }
0x2d3: {  	[tilespmem:s17+$0xD0] =	vst v8;
	v5 =	vmul.f32 v5, v0  }
0x2d4: {  	v8 =	vld [tilespmem:s16+$0xE0];
	v6 =	vmul.f32 v6, v0;
	[tilespmem:s17+$0xFFFFFF50] =	vst v7  }
0x2d5: {  	[tilespmem:s17+$0xFFFFFFD0] =	vst v5;
	v7 =	vld [tilespmem:s16+$0xFFFFFF60]  }
0x2d6: {  	v5 =	vld [tilespmem:s16+$0xFFFFFFE0];
	[tilespmem:s17+$0x50] =	vst v6  }
0x2d7: {  	v6 =	vld [tilespmem:s16+$0x60];
	_ =	sdelay $0x1  }
0x2d8: {  	v8 =	vmul.f32 v8, v0  }
0x2d9: {  	v7 =	vmul.f32 v7, v0  }
0x2da: {  	[tilespmem:s17+$0xE0] =	vst v8;
	v5 =	vmul.f32 v5, v0  }
0x2db: {  	v60 =	vld [tilespmem:s16+$0xF0];
	v6 =	vmul.f32 v6, v0;
	[tilespmem:s17+$0xFFFFFF60] =	vst v7  }
0x2dc: {  	[tilespmem:s17+$0xFFFFFFE0] =	vst v5;
	v61 =	vld [tilespmem:s16+$0xFFFFFF70]  }
0x2dd: {  	v2 =	vmul.f32 v2, v0;
	[tilespmem:s17+$0x60] =	vst v6;
	v62 =	vld [tilespmem:s16+$0xFFFFFFF0]  }
0x2de: {  	[tilespmem:s6+$0xF0] =	vst v4;
	v1 =	vmul.f32 v1, v0;
	v63 =	vld [tilespmem:s16+$0x70]  }
0x2df: {  	[tilespmem:s6+$0xFFFFFF70] =	vst v2;
	v2 =	vmul.f32 v3, v0  }
0x2e0: {  	[tilespmem:s6+$0xFFFFFFF0] =	vst v1;
	v1 =	vmul.f32 v60, v0  }
0x2e1: {  	[tilespmem:s6+$0x70] =	vst v2;
	v2 =	vmul.f32 v61, v0  }
0x2e2: {  	[tilespmem:s17+$0xF0] =	vst v1;
	v1 =	vmul.f32 v62, v0  }
0x2e3: {  	s25 =	sadd.s32 s12, s11;
	[tilespmem:s17+$0xFFFFFF70] =	vst v2;
	v2 =	vmul.f32 v63, v0  }
0x2e4: {  	p0 =	seq.s32 s7, $0xF;
	s6 =	sshll.u32 s25, $0x4;
	[tilespmem:s17+$0xFFFFFFF0] =	vst v1  }
0x2e5: {  	s7 =	smul.u32 @!p0 $0x640, s7;
	s6 =	sadd.s32 s3, s6;
	[tilespmem:s17+$0x70] =	vst v2  }
0x2e6: {  	[hbm4b:s6+s4] =	stream.linear.scatter [tilespmem:s23], [sflag:$0xA], $0x2800, $0x38;
	[tilespmem:$0x1A980] =	vst v63  }
0x2e7: {  	s12 =	simm.s32 @!p0 $0xB900;
	s6 =	sshra.s32 @!p0 s7, $0x2  }
0x2e8: {  	p1 =	sne.s32 @!p0 s24, $0x10;
	s7 =	simm.s32 @!p0 $0x50;
	s6 =	sadd.s32 @!p0 $0x2D0, s6  }
0x2e9: {  	[tilespmem:s12], [sflag:$0x5] =	stream.indirect.gather @!p0 [hbm4b:s2+s7], $0x80, s6, s7, $0xb8;
	[tilespmem:$0x1A980] =	vst v63  }
0x2ea: {  	p0 =	por p0, !p1  }
.Ltmp17:
0x2eb: {  	_ = 	snop;
	(pc) =	sbr.rel @!p0 .LBB2_2-.Ltmp17, $2  }
0x2ec: {  	_ =	sdelay $0x2  }
0x2ed: {  	s7 =	smov.u32 s24  }
0x2ee: {  	s12 =	simm.s32 $0x6  }
0x2ef: {  	_ =	swait.ge [sflag:s12], $0x2800  }
0x2f0: {  	[sflag:s12] =	ssyncset.done $0x0  }
0x2f1: {  	[sflag:s12] =	ssyncadd.s32 $0xFFFFD800  }
0x2f2: {  	_ =	swait.ge [sflag:s28], $0x2800  }
0x2f3: {  	[sflag:s28] =	ssyncset.done $0x0  }
0x2f4: {  	[sflag:s28] =	ssyncadd.s32 $0xFFFFD800  }
0x2f5: {  	_ =	swait.ge [sflag:s31], $0x2800  }
0x2f6: {  	[sflag:s31] =	ssyncset.done $0x0  }
0x2f7: {  	[sflag:s31] =	ssyncadd.s32 $0xFFFFD800  }
0x2f8: {  	_ =	swait.ge [sflag:s13], $0x2800  }
0x2f9: {  	[sflag:s13] =	ssyncset.done $0x0  }
0x2fa: {  	[sflag:s13] =	ssyncadd.s32 $0xFFFFD800  }
0x2fb: {  	_ =	swait.ge [sflag:s22], $0x2800  }
0x2fc: {  	s7 =	rddreg [dreg:$0x7]  }
0x2fd: {  	s6 =	rddreg [dreg:$0x6];
	s7 =	sadd.s32 $0x1, s7  }
0x2fe: {  	p0 =	sne.s32 s7, s6  }
.Ltmp18:
0x2ff: {  	_ = 	snop;
	(pc) =	sbr.rel @p0 .LBB2_1-.Ltmp18, $3  }
0x300: {  	_ =	sdelay $0x1  }
0x301: {  	[sflag:s22] =	ssyncset.done $0x0  }
0x302: {  	[sflag:s22] =	ssyncadd.s32 $0xFFFFD800  }
0x303: {  	_ =	sfence.sel $0x180000  }
0x304: {  	[bflag:$0x0] =	sbarrier.arrive $0xFFFF  }
0x305: {  	_ =	strace $0x90000047  }
0x306: {  	s0 =	stileid.u32;
	[bflag:$0x2] =	sbarrier.arrive $0xFFFF  }
0x307: {  	p0 =	sne.s32 s0, $0x0;
	s0 =	rddreg [dreg:$0x3]  }
0x308: {  	s0 =	sadd.s32 @!p0 $0x100000, s0  }
0x309: {  	[sflag:s0] =	ssyncadd.tile.s32 @!p0 $0x1;
	_ =	shalt  }
.Lfunc_end2:
_tile_overlayer_lowered:
.L_overlay_start_2:
0x30a: {  	(tag) =	ssettag $0x2  }
0x30b: {  	s0 =	rddreg [dreg:$0x0];
	s2 =	stileid.u32  }
0x30c: {  	s1 =	rddreg [dreg:$0x1];
	p0 =	sne.s32 s2, $0x0  }
0x30d: {  	s3 =	rddreg [dreg:$0x2];
	[bflag:$0x3] =	sbarrier.arrive $0xFFFF;
	s2 =	simm.s32 @!p0 $0x1C0B  }
0x30e: {  	[timem:s3], [sflag:s2] =	dma.local @!p0 [hbm:s0], s1  }
0x30f: {  	s0 =	simm.s32 @!p0 $0xB  }
0x310: {  	_ =	swait.ge @!p0 [sflag:s0], s1  }
0x311: {  	s1 =	ssub.s32 @!p0 $0x0, s1;
	[sflag:s0] =	ssyncset.done @!p0 $0x0  }
0x312: {  	[sflag:s0] =	ssyncadd.s32 @!p0 s1  }
0x313: {  	[bflag:$0x3] =	sbarrier.arrive $0xFFFF  }
0x314: {  	_ =	shalt  }

</sc_bundles>
